<compile_context>
chip_gen: v7x
topology: tpu7x:2x2x1
jax: 0.10.2.dev20260603
libtpu: 0.0.44.dev20260713+nightly
codegen_flags: <defaults>
</compile_context>

<pallas_src>
import functools

import jax
import jax.numpy as jnp
from jax import lax
from jax.experimental import pallas as pl
from jax.experimental.pallas import tpu as pltpu
from jax.experimental.pallas import tpu_sc as plsc

N_NODE = 10000
D = 128
NR = 5
NV = NR * N_NODE
NC, NS = 2, 16
NW = NC * NS
NPAD = 10240
ZB = 16


def _lrelu(x):
    return jnp.where(x > 0, x, 0.2 * x)


def _bcast(vec16, j):
    idx = jnp.full((16, 1), j, jnp.int32)
    return lax.gather(
        vec16, idx,
        lax.GatherDimensionNumbers(
            offset_dims=(), collapsed_slice_dims=(0,), start_index_map=(0,)),
        (1,), mode=lax.GatherScatterMode.PROMISE_IN_BOUNDS)


def _pre_side(node_emb, r_emb, w1, b1, w2, b2, a1h, act):
    BM = 400
    nblk = N_NODE // BM

    def body(nb_ref, re_ref, w1_ref, b1_ref, w2_ref, b2_ref, a1_ref,
             x_ref, a_ref):
        w1a = w1_ref[:D, :]
        w1b = w1_ref[D:, :]
        rp = re_ref[...] @ w1b
        t = nb_ref[...] @ w1a
        b1v = b1_ref[...]
        for r in range(NR):
            x1 = act(t + rp[r][None, :] + b1v)
            xa = act(x1 @ w2_ref[...] + b2_ref[...])
            x_ref[r] = xa
            a_ref[r] = xa @ a1_ref[...]

    x_all, a_all = pl.pallas_call(
        body,
        grid=(nblk,),
        in_specs=[
            pl.BlockSpec((BM, D), lambda i: (i, 0)),
            pl.BlockSpec((NR, D), lambda i: (0, 0)),
            pl.BlockSpec((2 * D, D), lambda i: (0, 0)),
            pl.BlockSpec((1, D), lambda i: (0, 0)),
            pl.BlockSpec((D, D), lambda i: (0, 0)),
            pl.BlockSpec((1, D), lambda i: (0, 0)),
            pl.BlockSpec((D, D), lambda i: (0, 0)),
        ],
        out_specs=[
            pl.BlockSpec((NR, BM, D), lambda i: (0, i, 0)),
            pl.BlockSpec((NR, BM, D), lambda i: (0, i, 0)),
        ],
        out_shape=[
            jax.ShapeDtypeStruct((NR, N_NODE, D), jnp.float32),
            jax.ShapeDtypeStruct((NR, N_NODE, D), jnp.float32),
        ],
    )(node_emb, r_emb, w1, b1.reshape(1, D), w2, b2.reshape(1, D), a1h)
    return x_all.reshape(NV, D), a_all.reshape(NV, D)


def _mm(xs, ws, b, act):
    n = xs[0].shape[0]
    BM = 400 if n % 400 == 0 else 320
    nblk = n // BM
    nx = len(xs)

    def body(*refs):
        x_refs = refs[:nx]
        w_refs = refs[nx:2 * nx]
        b_ref = refs[2 * nx]
        o_ref = refs[2 * nx + 1]
        acc = b_ref[...]
        for xr, wr in zip(x_refs, w_refs):
            acc = acc + xr[...] @ wr[...]
        o_ref[...] = act(acc) if act is not None else acc

    in_specs = (
        [pl.BlockSpec((BM, x.shape[1]), lambda i: (i, 0)) for x in xs]
        + [pl.BlockSpec(w.shape, lambda i: (0, 0)) for w in ws]
        + [pl.BlockSpec((1, D), lambda i: (0, 0))]
    )
    return pl.pallas_call(
        body,
        grid=(nblk,),
        in_specs=in_specs,
        out_specs=pl.BlockSpec((BM, D), lambda i: (i, 0)),
        out_shape=jax.ShapeDtypeStruct((n, D), jnp.float32),
    )(*xs, *ws, b.reshape(1, D))


def _att2(t1, a2w, a2b, a3w, a3b):
    E = t1.shape[0]
    BM = 640
    nblk = E // BM

    def body(t1_ref, w_ref, b_ref, a3_ref, a3b_ref, w_out, m_out):
        i = pl.program_id(0)
        t2 = jnp.maximum(t1_ref[...] @ w_ref[...] + b_ref[...], 0.0)
        wv = jnp.sum(t2 * a3_ref[...], axis=1) + a3b_ref[0, 0]
        w_out[...] = wv.reshape(1, 8, BM // 8)

        @pl.when(i == 0)
        def _():
            m_out[...] = jnp.full((1, D), -1e30, jnp.float32)

        m_out[...] = jnp.maximum(m_out[...], jnp.max(wv))

    wgt, m = pl.pallas_call(
        body,
        grid=(nblk,),
        in_specs=[
            pl.BlockSpec((BM, D), lambda i: (i, 0)),
            pl.BlockSpec((D, D), lambda i: (0, 0)),
            pl.BlockSpec((1, D), lambda i: (0, 0)),
            pl.BlockSpec((1, D), lambda i: (0, 0)),
            pl.BlockSpec((1, 1), lambda i: (0, 0)),
        ],
        out_specs=[
            pl.BlockSpec((1, 8, BM // 8), lambda i: (i, 0, 0)),
            pl.BlockSpec((1, D), lambda i: (0, 0)),
        ],
        out_shape=[
            jax.ShapeDtypeStruct((nblk, 8, BM // 8), jnp.float32),
            jax.ShapeDtypeStruct((1, D), jnp.float32),
        ],
    )(t1, a2w, a2b.reshape(1, D), a3w.reshape(1, D), a3b.reshape(1, 1))
    return wgt.reshape(E), m.reshape(D)


@functools.partial(jax.jit, static_argnames=("C",))
def _sc_gather_relu(A, B, ia, ib, C):
    E = ia.shape[0]
    PW = E // NW
    nch = PW // C
    mesh = plsc.VectorSubcoreMesh(core_axis_name="c", subcore_axis_name="s", num_cores=NC, num_subcores=NS)

    @functools.partial(
        pl.kernel,
        out_type=jax.ShapeDtypeStruct((E, D), jnp.float32),
        mesh=mesh,
        scratch_types=[
            pltpu.VMEM((PW,), jnp.int32),
            pltpu.VMEM((PW,), jnp.int32),
            pltpu.VMEM((C, D), jnp.float32),
            pltpu.VMEM((C, D), jnp.float32),
            pltpu.VMEM((C, D), jnp.float32),
            pltpu.VMEM((C, D), jnp.float32),
            pltpu.SemaphoreType.DMA,
            pltpu.SemaphoreType.DMA,
            pltpu.SemaphoreType.DMA,
            pltpu.SemaphoreType.DMA,
        ],
    )
    def k(A_h, B_h, ia_h, ib_h, out_h, iav, ibv,
          rA0, rB0, rA1, rB1, sA0, sB0, sA1, sB1):
        c = lax.axis_index("c")
        s = lax.axis_index("s")
        base = (s * NC + c) * PW
        pltpu.sync_copy(ia_h.at[pl.ds(base, PW)], iav)
        pltpu.sync_copy(ib_h.at[pl.ds(base, PW)], ibv)

        def issue(i, rA, rB, sA, sB):
            pltpu.async_copy(A_h.at[iav.at[pl.ds(i * C, C)]], rA, sA)
            pltpu.async_copy(B_h.at[ibv.at[pl.ds(i * C, C)]], rB, sB)

        def do_chunk(i, rA, rB, sA, sB):
            pltpu.make_async_copy(
                A_h.at[iav.at[pl.ds(i * C, C)]], rA, sA).wait()
            pltpu.make_async_copy(
                B_h.at[ibv.at[pl.ds(i * C, C)]], rB, sB).wait()

            def rowf(r, _):
                for j in range(D // 16):
                    sl = (r, pl.ds(j * 16, 16))
                    rA[sl] = jnp.maximum(rA[sl] + rB[sl], 0.0)
                return 0

            lax.fori_loop(0, C, rowf, 0)
            pltpu.sync_copy(rA, out_h.at[pl.ds(base + i * C, C)])

        issue(0, rA0, rB0, sA0, sB0)

        def pipe(kk, _):
            a = 2 * kk
            b = a + 1

            @pl.when(b < nch)
            def _():
                issue(b, rA1, rB1, sA1, sB1)

            do_chunk(a, rA0, rB0, sA0, sB0)

            @pl.when(a + 2 < nch)
            def _():
                issue(a + 2, rA0, rB0, sA0, sB0)

            @pl.when(b < nch)
            def _():
                do_chunk(b, rA1, rB1, sA1, sB1)

            return 0

        lax.fori_loop(0, (nch + 1) // 2, pipe, 0)

    return k(A, B, ia, ib)


@functools.partial(jax.jit, static_argnames=("C",))
def _sc_seg_sum(wgt, mvec, seg, C):
    E = wgt.shape[0]
    PW = E // NW
    nch = PW // C
    mesh = plsc.VectorSubcoreMesh(core_axis_name="c", subcore_axis_name="s", num_cores=NC, num_subcores=NS)

    @functools.partial(
        pl.kernel,
        out_type=[
            jax.ShapeDtypeStruct((NPAD, D), jnp.float32),
            jax.ShapeDtypeStruct((NPAD, D), jnp.float32),
        ],
        mesh=mesh,
        scratch_types=[
            pltpu.VMEM_SHARED((NPAD, D), jnp.float32),
            pltpu.VMEM((16,), jnp.float32),
            pltpu.VMEM((PW,), jnp.float32),
            pltpu.VMEM((C, D), jnp.float32),
            pltpu.VMEM((C,), jnp.int32),
            pltpu.VMEM((1, 16), jnp.float32),
        ],
    )
    def k(wgt_h, m_h, seg_h, out0_h, out1_h, s_sh, mv, exs, wrows, segv, onev):
        c = lax.axis_index("c")
        s = lax.axis_index("s")
        zero16 = jnp.zeros((16,), jnp.float32)

        def z1(r, _):
            for j in range(D // 16):
                wrows[r, pl.ds(j * 16, 16)] = zero16
            return 0

        lax.fori_loop(0, C, z1, 0)
        onev[0, pl.ds(0, 16)] = jnp.ones((16,), jnp.float32)

        def z3(kk, _):
            r0 = s * (NPAD // NS) + kk * ZB
            pltpu.sync_copy(wrows.at[pl.ds(0, ZB)], s_sh.at[pl.ds(r0, ZB)])
            return 0

        lax.fori_loop(0, NPAD // NS // ZB, z3, 0)
        pltpu.sync_copy(m_h.at[pl.ds(0, 16)], mv)
        base = (s * NC + c) * PW
        pltpu.sync_copy(wgt_h.at[pl.ds(base, PW)], exs)
        mvv = mv[...]

        def expf(g, _):
            sl = pl.ds(g * 16, 16)
            exs[sl] = jnp.exp(exs[sl] - mvv)
            return 0

        lax.fori_loop(0, PW // 16, expf, 0)
        plsc.subcore_barrier()

        def pha(i, _):
            off = base + i * C
            pltpu.sync_copy(seg_h.at[pl.ds(off, C)], segv)

            def rowb(r, _):
                grpv = exs[pl.ds(i * C + (r // 16) * 16, 16)]
                bc = onev[0, pl.ds(0, 16)] * _bcast(grpv, r % 16)
                for j in range(D // 16):
                    wrows[r, pl.ds(j * 16, 16)] = bc
                return 0

            lax.fori_loop(0, C, rowb, 0)
            pltpu.sync_copy(wrows, s_sh.at[segv], add=True)
            return 0

        lax.fori_loop(0, nch, pha, 0)
        plsc.subcore_barrier()

        def dump(kk, _):
            r0 = s * (NPAD // NS) + kk * ZB
            pltpu.sync_copy(s_sh.at[pl.ds(r0, ZB)], wrows.at[pl.ds(0, ZB)])

            @pl.when(c == 0)
            def _():
                pltpu.sync_copy(wrows.at[pl.ds(0, ZB)], out0_h.at[pl.ds(r0, ZB)])

            @pl.when(c == 1)
            def _():
                pltpu.sync_copy(wrows.at[pl.ds(0, ZB)], out1_h.at[pl.ds(r0, ZB)])

            return 0

        lax.fori_loop(0, NPAD // NS // ZB, dump, 0)

    return k(wgt, mvec, seg)


@functools.partial(jax.jit, static_argnames=("C",))
def _sc_agg(wgt, mvec, X, seg, key, s0, s1, C):
    E = wgt.shape[0]
    PW = E // NW
    nch = PW // C
    mesh = plsc.VectorSubcoreMesh(core_axis_name="c", subcore_axis_name="s", num_cores=NC, num_subcores=NS)

    @functools.partial(
        pl.kernel,
        out_type=[
            jax.ShapeDtypeStruct((NPAD, D), jnp.float32),
            jax.ShapeDtypeStruct((NPAD, D), jnp.float32),
        ],
        mesh=mesh,
        scratch_types=[
            pltpu.VMEM_SHARED((NPAD, D), jnp.float32),
            pltpu.VMEM((16,), jnp.float32),
            pltpu.VMEM((PW,), jnp.float32),
            pltpu.VMEM((PW,), jnp.int32),
            pltpu.VMEM((C, D), jnp.float32),
            pltpu.VMEM((C, D), jnp.float32),
            pltpu.VMEM((ZB, D), jnp.float32),
            pltpu.VMEM((ZB, D), jnp.float32),
            pltpu.VMEM((C,), jnp.int32),
            pltpu.SemaphoreType.DMA,
            pltpu.SemaphoreType.DMA,
        ],
    )
    def k(wgt_h, m_h, X_h, seg_h, key_h, s0_h, s1_h, out0_h, out1_h,
          h_sh, mv, exs, keys, xrows, xrows2, sa, sb, segv, sem, sem2):
        c = lax.axis_index("c")
        s = lax.axis_index("s")
        zero16 = jnp.zeros((16,), jnp.float32)

        def z1(r, _):
            for j in range(D // 16):
                xrows[r, pl.ds(j * 16, 16)] = zero16
            return 0

        lax.fori_loop(0, C, z1, 0)

        def z3(kk, _):
            r0 = s * (NPAD // NS) + kk * ZB
            pltpu.sync_copy(xrows.at[pl.ds(0, ZB)], h_sh.at[pl.ds(r0, ZB)])
            return 0

        lax.fori_loop(0, NPAD // NS // ZB, z3, 0)
        pltpu.sync_copy(m_h.at[pl.ds(0, 16)], mv)
        base = (s * NC + c) * PW
        pltpu.sync_copy(wgt_h.at[pl.ds(base, PW)], exs)
        pltpu.sync_copy(key_h.at[pl.ds(base, PW)], keys)
        mvv = mv[...]

        def expf(g, _):
            sl = pl.ds(g * 16, 16)
            exs[sl] = jnp.exp(exs[sl] - mvv)
            return 0

        lax.fori_loop(0, PW // 16, expf, 0)
        plsc.subcore_barrier()

        def do_chunk(i, xr, sm):
            off = base + i * C
            pltpu.sync_copy(seg_h.at[pl.ds(off, C)], segv)
            pltpu.make_async_copy(
                X_h.at[keys.at[pl.ds(i * C, C)]], xr, sm).wait()

            def rowf(r, _):
                grpv = exs[pl.ds(i * C + (r // 16) * 16, 16)]
                exb = _bcast(grpv, r % 16)
                for j in range(D // 16):
                    sl = (r, pl.ds(j * 16, 16))
                    xr[sl] = xr[sl] * exb
                return 0

            lax.fori_loop(0, C, rowf, 0)
            pltpu.sync_copy(xr, h_sh.at[segv], add=True)

        def issue(i, xr, sm):
            pltpu.async_copy(X_h.at[keys.at[pl.ds(i * C, C)]], xr, sm)

        issue(0, xrows, sem)

        def phc2(kk, _):
            a = 2 * kk
            b = a + 1

            @pl.when(b < nch)
            def _():
                issue(b, xrows2, sem2)

            do_chunk(a, xrows, sem)

            @pl.when(a + 2 < nch)
            def _():
                issue(a + 2, xrows, sem)

            @pl.when(b < nch)
            def _():
                do_chunk(b, xrows2, sem2)

            return 0

        lax.fori_loop(0, (nch + 1) // 2, phc2, 0)
        plsc.subcore_barrier()

        def dump(kk, _):
            r0 = s * (NPAD // NS) + kk * ZB
            pltpu.sync_copy(h_sh.at[pl.ds(r0, ZB)], xrows.at[pl.ds(0, ZB)])
            pltpu.sync_copy(s0_h.at[pl.ds(r0, ZB)], sa)
            pltpu.sync_copy(s1_h.at[pl.ds(r0, ZB)], sb)

            def nrm(r, _):
                for j in range(D // 16):
                    sl = (r, pl.ds(j * 16, 16))
                    xrows[sl] = xrows[sl] / (sa[sl] + sb[sl] + 1e-9)
                return 0

            lax.fori_loop(0, ZB, nrm, 0)

            @pl.when(c == 0)
            def _():
                pltpu.sync_copy(xrows.at[pl.ds(0, ZB)], out0_h.at[pl.ds(r0, ZB)])

            @pl.when(c == 1)
            def _():
                pltpu.sync_copy(xrows.at[pl.ds(0, ZB)], out1_h.at[pl.ds(r0, ZB)])

            return 0

        lax.fori_loop(0, NPAD // NS // ZB, dump, 0)

    return k(wgt, mvec, X, seg, key, s0, s1)


def _sc_softmax_agg(wgt, mvec, X, seg, key, C):
    s0, s1 = _sc_seg_sum(wgt, mvec, seg, C=C)
    return _sc_agg(wgt, mvec, X, seg, key, s0, s1, C=C)





def kernel(uv_src, uv_dst, uv_rating, uu_src, uu_dst, params):
    p = params
    relu = lambda x: jnp.maximum(x, 0.0)
    uv_src = uv_src.astype(jnp.int32)
    uv_dst = uv_dst.astype(jnp.int32)
    uv_rating = uv_rating.astype(jnp.int32)
    uu_src = uu_src.astype(jnp.int32)
    uu_dst = uu_dst.astype(jnp.int32)
    keyI = uv_rating * N_NODE + uv_dst
    keyU = uv_rating * N_NODE + uv_src

    x_ia_all, A_I = _pre_side(
        p['item_emb'], p['rating_emb'], p['gv_w1'], p['gv_b1'],
        p['gv_w2'], p['gv_b2'], p['attI_a1w'][:D], _lrelu)
    f_jt_all, A_U = _pre_side(
        p['user_emb'], p['rating_emb'], p['gu_w1'], p['gu_b1'],
        p['gu_w2'], p['gu_b2'], p['attU_a1w'][:D], relu)
    B_I = _mm([p['user_emb']], [p['attI_a1w'][D:]], p['attI_a1b'], None)
    B_U = _mm([p['item_emb']], [p['attU_a1w'][D:]], p['attU_a1b'], None)
    A_S = _mm([p['user_emb']], [p['attS_a1w'][:D]],
              jnp.zeros((D,), jnp.float32), None)

    t1 = _sc_gather_relu(A_I, B_I, keyI, uv_src, C=80)
    wgt, m = _att2(t1, p['attI_a2w'], p['attI_a2b'],
                   p['attI_a3w'], p['attI_a3b'])
    h0, h1 = _sc_softmax_agg(wgt, m, x_ia_all, uv_src, keyI, C=16)
    hI = _mm([h0, h1], [p['wi_w'], p['wi_w']], p['wi_b'], _lrelu)

    t1 = _sc_gather_relu(A_U, B_U, keyU, uv_dst, C=80)
    wgt, m = _att2(t1, p['attU_a2w'], p['attU_a2b'],
                   p['attU_a3w'], p['attU_a3b'])
    z0, z1 = _sc_softmax_agg(wgt, m, f_jt_all, uv_dst, keyU, C=16)
    z = _mm([z0, z1], [p['wu_w'], p['wu_w']], p['wu_b'], _lrelu)

    hI10k = hI[:N_NODE]
    B_S = _mm([hI10k], [p['attS_a1w'][D:]], p['attS_a1b'], None)
    t1 = _sc_gather_relu(A_S, B_S, uu_src, uu_dst, C=40)
    wgt, m = _att2(t1, p['attS_a2w'], p['attS_a2b'],
                   p['attS_a3w'], p['attS_a3b'])
    npad_uu = 163840 - wgt.shape[0]
    wgt_p = jnp.concatenate([wgt, jnp.full((npad_uu,), -1e30, jnp.float32)])
    seg_p = jnp.concatenate([uu_dst, jnp.full((npad_uu,), N_NODE, jnp.int32)])
    key_p = jnp.concatenate([uu_src, jnp.zeros((npad_uu,), jnp.int32)])
    hs0, hs1 = _sc_softmax_agg(wgt_p, m, hI10k, seg_p, key_p, C=16)
    hS = _mm([hs0, hs1], [p['ws_w'], p['ws_w']], p['ws_b'], _lrelu)

    h_out = _mm([hI10k, hS[:N_NODE]], [p['w2_w'][:D], p['w2_w'][D:]],
                p['w2_b'], _lrelu)
    return (h_out, z[:N_NODE])

# --- scband reference (transcript-rebuilt; emitter-appended) ---
"""Pipeline reference for scband-graph-rec-21354577396102 (READ-ONLY COPY).

The authoritative reference and input builder live on the scoring server;
editing this copy changes nothing except your own understanding.
"""

import jax, jax.numpy as jnp
import numpy as np

U_NUM, I_NUM, R_NUM, D = 10000, 10000, 5, 128
E_UV, E_UU = 320000, 160000


def _lrelu(x):
    return jnp.where(x > 0, x, 0.2 * x)


def _edge_softmax(w, dst, n):
    w = w.reshape(-1)
    m = jax.ops.segment_max(w, dst, num_segments=n)
    m = jnp.where(jnp.isfinite(m), m, 0.0)
    ex = jnp.exp(w - m[dst])
    s = jax.ops.segment_sum(ex, dst, num_segments=n)
    return (ex / (s[dst] + 1e-9))[:, None]


def _att(src, dst, p, pre):
    x = jnp.concatenate([src, dst], axis=1)
    x = jax.nn.relu(x @ p[pre + '_a1w'] + p[pre + '_a1b'])
    x = jax.nn.relu(x @ p[pre + '_a2w'] + p[pre + '_a2b'])
    return x @ p[pre + '_a3w'] + p[pre + '_a3b']


def _forward(p, uv_src, uv_dst, uv_rating, uu_src, uu_dst):
    # ---- ItemAgg: item -> user aggregation over rated edges ----
    i_emb = p['item_emb'][uv_dst]
    u_emb = p['user_emb'][uv_src]
    r_emb = p['rating_emb'][uv_rating]
    x = jnp.concatenate([i_emb, r_emb], axis=1)
    x = _lrelu(x @ p['gv_w1'] + p['gv_b1'])
    x_ia = _lrelu(x @ p['gv_w2'] + p['gv_b2'])
    wgt = _att(x_ia, u_emb, p, 'attI')
    val = _edge_softmax(wgt, uv_src, U_NUM)
    h = jax.ops.segment_sum(x_ia * val, uv_src, num_segments=U_NUM)
    hI = _lrelu(h @ p['wi_w'] + p['wi_b'])

    # ---- SocialAgg: trust -> trustee aggregation on user-user graph ----
    trust_emb = p['user_emb'][uu_src]
    trustee_emb = hI[uu_dst]
    wgt = _att(trust_emb, trustee_emb, p, 'attS')
    val = _edge_softmax(wgt, uu_dst, U_NUM)
    hs = jax.ops.segment_sum(val * hI[uu_src], uu_dst, num_segments=U_NUM)
    hS = _lrelu(hs @ p['ws_w'] + p['ws_b'])

    # ---- UserAgg: user -> item aggregation over rated edges ----
    f = jax.nn.relu(jnp.concatenate([u_emb, r_emb], axis=1) @ p['gu_w1'] + p['gu_b1'])
    f_jt = jax.nn.relu(f @ p['gu_w2'] + p['gu_b2'])
    wgt = _att(f_jt, i_emb, p, 'attU')
    val = _edge_softmax(wgt, uv_dst, I_NUM)
    z = jax.ops.segment_sum(f_jt * val, uv_dst, num_segments=I_NUM)
    z = _lrelu(z @ p['wu_w'] + p['wu_b'])

    # ---- fuse ----
    h_out = _lrelu(jnp.concatenate([hI, hS], axis=1) @ p['w2_w'] + p['w2_b'])
    return (h_out, z)


def setup_inputs(seed: int = 0):
    key = jax.random.key(seed)
    it = iter(jax.random.split(key, 64))

    def nk():
        return next(it)

    def w(shape):
        return jax.random.normal(nk(), shape, jnp.float32) * 0.05

    uv_src = jax.random.randint(nk(), (E_UV,), 0, U_NUM)
    uv_dst = jax.random.randint(nk(), (E_UV,), 0, I_NUM)
    uv_rating = jax.random.randint(nk(), (E_UV,), 0, R_NUM)
    uu_src = jax.random.randint(nk(), (E_UU,), 0, U_NUM)
    uu_dst = jax.random.randint(nk(), (E_UU,), 0, U_NUM)

    params = {}
    params['user_emb'] = w((U_NUM, D))
    params['item_emb'] = w((I_NUM, D))
    params['rating_emb'] = w((R_NUM, D))
    for pre in ['gv', 'gu']:
        params[pre + '_w1'] = w((2 * D, D))
        params[pre + '_b1'] = jnp.zeros((D,), jnp.float32)
        params[pre + '_w2'] = w((D, D))
        params[pre + '_b2'] = jnp.zeros((D,), jnp.float32)
    for pre in ['attI', 'attS', 'attU']:
        params[pre + '_a1w'] = w((2 * D, D))
        params[pre + '_a1b'] = jnp.zeros((D,), jnp.float32)
        params[pre + '_a2w'] = w((D, D))
        params[pre + '_a2b'] = jnp.zeros((D,), jnp.float32)
        params[pre + '_a3w'] = w((D, 1))
        params[pre + '_a3b'] = jnp.zeros((1,), jnp.float32)
    for pre in ['wi', 'ws', 'wu', 'w2']:
        in_d = 2 * D if pre == 'w2' else D
        params[pre + '_w'] = w((in_d, D))
        params[pre + '_b'] = jnp.zeros((D,), jnp.float32)

    return {
        'uv_src': uv_src,
        'uv_dst': uv_dst,
        'uv_rating': uv_rating,
        'uu_src': uu_src,
        'uu_dst': uu_dst,
        'params': params,
    }


def reference(uv_src, uv_dst, uv_rating, uu_src, uu_dst, params):
    return _forward(params, uv_src, uv_dst, uv_rating, uu_src, uu_dst)

if __name__ == "__main__":
    import jax
    _d = setup_inputs()
    print(jax.jit(kernel)(*tuple(_d.values())))

</pallas_src>

<mosaic_0001>
#map = affine_map<(d0, d1) -> (0, 0)>
#map1 = affine_map<(d0, d1) -> (0)>
module attributes {stable_mosaic.version = 14 : i64} {
  func.func @k(%arg0: i32, %arg1: i32, %arg2: memref<50000x128xf32, #tpu.memory_space<hbm>>, %arg3: memref<10000x128xf32, #tpu.memory_space<hbm>>, %arg4: memref<320000xi32, #tpu.memory_space<hbm>>, %arg5: memref<320000xi32, #tpu.memory_space<hbm>>, %arg6: memref<320000x128xf32, #tpu.memory_space<hbm>>, %arg7: memref<10000xi32, #tpu.memory_space<vmem>>, %arg8: memref<10000xi32, #tpu.memory_space<vmem>>, %arg9: memref<80x128xf32, #tpu.memory_space<vmem>>, %arg10: memref<80x128xf32, #tpu.memory_space<vmem>>, %arg11: memref<80x128xf32, #tpu.memory_space<vmem>>, %arg12: memref<80x128xf32, #tpu.memory_space<vmem>>, %arg13: memref<!tpu.dma_semaphore, #tpu.memory_space<semaphore_mem>>, %arg14: memref<!tpu.dma_semaphore, #tpu.memory_space<semaphore_mem>>, %arg15: memref<!tpu.dma_semaphore, #tpu.memory_space<semaphore_mem>>, %arg16: memref<!tpu.dma_semaphore, #tpu.memory_space<semaphore_mem>>) attributes {dimension_semantics = [#tpu.dimension_semantics<core_parallel>, #tpu.dimension_semantics<subcore_parallel>], iteration_bounds = array<i64: 2, 16>, scalar_prefetch = 0 : i64, scratch_operands = 10 : i64, tpu.core_type = #tpu.core_type<sc_vector_subcore>, window_params = [{transform_indices = #map}, {transform_indices = #map}, {transform_indices = #map1}, {transform_indices = #map1}, {transform_indices = #map}]} {
    %mul3A = arith.constant 2 : i32
    %mul3A_0 = arith.muli %arg1, %mul3A : i32
    %add3A = arith.addi %mul3A_0, %arg0 : i32
    %mul3A_1 = arith.constant 10000 : i32
    %mul3A_2 = arith.muli %add3A, %mul3A_1 : i32
    "tpu.region"() ({
      %run_scoped3A = tpu.sem_alloc : memref<!tpu.dma_semaphore, #tpu.memory_space<semaphore_mem>>
      %dma_start3A_18 = tpu.memref_slice %arg4[%mul3A_2] : memref<320000xi32, #tpu.memory_space<hbm>> -> memref<10000xi32, #tpu.memory_space<hbm>>
      %dma_start3A_19 = tpu.memref_slice %arg4[%mul3A_2] : memref<320000xi32, #tpu.memory_space<hbm>> -> memref<10000xi32, #tpu.memory_space<hbm>>
      tpu.enqueue_dma source(%dma_start3A_19 : memref<10000xi32, #tpu.memory_space<hbm>>) target(%arg7 : memref<10000xi32, #tpu.memory_space<vmem>>) target_semaphore(%run_scoped3A : memref<!tpu.dma_semaphore, #tpu.memory_space<semaphore_mem>>)
      %dma_wait3A = tpu.memref_slice %arg4[%mul3A_2] : memref<320000xi32, #tpu.memory_space<hbm>> -> memref<10000xi32, #tpu.memory_space<hbm>>
      %dma_wait3A_20 = tpu.memref_slice %arg4[%mul3A_2] : memref<320000xi32, #tpu.memory_space<hbm>> -> memref<10000xi32, #tpu.memory_space<hbm>>
      tpu.wait_dma2 semaphore(%run_scoped3A : memref<!tpu.dma_semaphore, #tpu.memory_space<semaphore_mem>>) src(%dma_wait3A_20 : memref<10000xi32, #tpu.memory_space<hbm>>) dst(%arg7 : memref<10000xi32, #tpu.memory_space<vmem>>)
      tpu.yield
    }) : () -> ()
    "tpu.region"() ({
      %run_scoped3A = tpu.sem_alloc : memref<!tpu.dma_semaphore, #tpu.memory_space<semaphore_mem>>
      %dma_start3A_18 = tpu.memref_slice %arg5[%mul3A_2] : memref<320000xi32, #tpu.memory_space<hbm>> -> memref<10000xi32, #tpu.memory_space<hbm>>
      %dma_start3A_19 = tpu.memref_slice %arg5[%mul3A_2] : memref<320000xi32, #tpu.memory_space<hbm>> -> memref<10000xi32, #tpu.memory_space<hbm>>
      tpu.enqueue_dma source(%dma_start3A_19 : memref<10000xi32, #tpu.memory_space<hbm>>) target(%arg8 : memref<10000xi32, #tpu.memory_space<vmem>>) target_semaphore(%run_scoped3A : memref<!tpu.dma_semaphore, #tpu.memory_space<semaphore_mem>>)
      %dma_wait3A = tpu.memref_slice %arg5[%mul3A_2] : memref<320000xi32, #tpu.memory_space<hbm>> -> memref<10000xi32, #tpu.memory_space<hbm>>
      %dma_wait3A_20 = tpu.memref_slice %arg5[%mul3A_2] : memref<320000xi32, #tpu.memory_space<hbm>> -> memref<10000xi32, #tpu.memory_space<hbm>>
      tpu.wait_dma2 semaphore(%run_scoped3A : memref<!tpu.dma_semaphore, #tpu.memory_space<semaphore_mem>>) src(%dma_wait3A_20 : memref<10000xi32, #tpu.memory_space<hbm>>) dst(%arg8 : memref<10000xi32, #tpu.memory_space<vmem>>)
      tpu.yield
    }) : () -> ()
    %dma_start3A = arith.constant 0 : i32
    %dma_start3A_3 = tpu.memref_slice %arg7[%dma_start3A] : memref<10000xi32, #tpu.memory_space<vmem>> -> memref<80xi32, #tpu.memory_space<vmem>>
    %dma_start3A_4 = arith.constant 0 : i32
    %dma_start3A_5 = arith.constant 0 : i32
    %dma_start3A_6 = tpu.memref_slice %arg2[%dma_start3A_4, %dma_start3A_5] : memref<50000x128xf32, #tpu.memory_space<hbm>> -> memref<50000x128xf32, #tpu.memory_space<hbm>>
    tpu.enqueue_indirect_dma source(%dma_start3A_6 : memref<50000x128xf32, #tpu.memory_space<hbm>>) target(%arg9 : memref<80x128xf32, #tpu.memory_space<vmem>>) offsets(%dma_start3A_3 : memref<80xi32, #tpu.memory_space<vmem>>) semaphore(%arg13 : memref<!tpu.dma_semaphore, #tpu.memory_space<semaphore_mem>>)
    %dma_start3A_7 = arith.constant 0 : i32
    %dma_start3A_8 = tpu.memref_slice %arg8[%dma_start3A_7] : memref<10000xi32, #tpu.memory_space<vmem>> -> memref<80xi32, #tpu.memory_space<vmem>>
    %dma_start3A_9 = arith.constant 0 : i32
    %dma_start3A_10 = arith.constant 0 : i32
    %dma_start3A_11 = tpu.memref_slice %arg3[%dma_start3A_9, %dma_start3A_10] : memref<10000x128xf32, #tpu.memory_space<hbm>> -> memref<10000x128xf32, #tpu.memory_space<hbm>>
    tpu.enqueue_indirect_dma source(%dma_start3A_11 : memref<10000x128xf32, #tpu.memory_space<hbm>>) target(%arg10 : memref<80x128xf32, #tpu.memory_space<vmem>>) offsets(%dma_start3A_8 : memref<80xi32, #tpu.memory_space<vmem>>) semaphore(%arg14 : memref<!tpu.dma_semaphore, #tpu.memory_space<semaphore_mem>>)
    %scan3A = arith.constant 0 : i32
    %scan3A_12 = arith.constant 0 : i32
    %scan3A_13 = arith.constant 63 : i32
    %scan3A_14 = arith.addi %scan3A_12, %scan3A_13 : i32
    %scan3A_15 = arith.constant 1 : i32
    %scan3A_16 = scf.for %scan3A_18 = %scan3A_12 to %scan3A_14 step %scan3A_15 iter_args(%scan3A_19 = %scan3A) -> (i32)  : i32 {
      %mul3A_20 = arith.constant 2 : i32
      %mul3A_21 = arith.muli %mul3A_20, %scan3A_18 : i32
      %add3A_22 = arith.constant 1 : i32
      %add3A_23 = arith.addi %mul3A_21, %add3A_22 : i32
      %lt3A = arith.constant 125 : i32
      %lt3A_24 = arith.cmpi slt, %add3A_23, %lt3A : i32
      %convert_element_type3A = arith.extui %lt3A_24 : i1 to i32
      %cond3A = arith.constant 0 : i32
      %cond3A_25 = arith.cmpi ne, %convert_element_type3A, %cond3A : i32
      scf.if %cond3A_25 {
        %mul3A_60 = arith.constant 80 : i32
        %mul3A_61 = arith.muli %add3A_23, %mul3A_60 : i32
        %dma_start3A_62 = tpu.memref_slice %arg7[%mul3A_61] : memref<10000xi32, #tpu.memory_space<vmem>> -> memref<80xi32, #tpu.memory_space<vmem>>
        %dma_start3A_63 = arith.constant 0 : i32
        %dma_start3A_64 = arith.constant 0 : i32
        %dma_start3A_65 = tpu.memref_slice %arg2[%dma_start3A_63, %dma_start3A_64] : memref<50000x128xf32, #tpu.memory_space<hbm>> -> memref<50000x128xf32, #tpu.memory_space<hbm>>
        tpu.enqueue_indirect_dma source(%dma_start3A_65 : memref<50000x128xf32, #tpu.memory_space<hbm>>) target(%arg11 : memref<80x128xf32, #tpu.memory_space<vmem>>) offsets(%dma_start3A_62 : memref<80xi32, #tpu.memory_space<vmem>>) semaphore(%arg15 : memref<!tpu.dma_semaphore, #tpu.memory_space<semaphore_mem>>)
        %mul3A_66 = arith.constant 80 : i32
        %mul3A_67 = arith.muli %add3A_23, %mul3A_66 : i32
        %dma_start3A_68 = tpu.memref_slice %arg8[%mul3A_67] : memref<10000xi32, #tpu.memory_space<vmem>> -> memref<80xi32, #tpu.memory_space<vmem>>
        %dma_start3A_69 = arith.constant 0 : i32
        %dma_start3A_70 = arith.constant 0 : i32
        %dma_start3A_71 = tpu.memref_slice %arg3[%dma_start3A_69, %dma_start3A_70] : memref<10000x128xf32, #tpu.memory_space<hbm>> -> memref<10000x128xf32, #tpu.memory_space<hbm>>
        tpu.enqueue_indirect_dma source(%dma_start3A_71 : memref<10000x128xf32, #tpu.memory_space<hbm>>) target(%arg12 : memref<80x128xf32, #tpu.memory_space<vmem>>) offsets(%dma_start3A_68 : memref<80xi32, #tpu.memory_space<vmem>>) semaphore(%arg16 : memref<!tpu.dma_semaphore, #tpu.memory_space<semaphore_mem>>)
      } else {
      }
      %mul3A_26 = arith.constant 80 : i32
      %mul3A_27 = arith.muli %mul3A_21, %mul3A_26 : i32
      %dma_wait3A = tpu.memref_slice %arg7[%mul3A_27] : memref<10000xi32, #tpu.memory_space<vmem>> -> memref<80xi32, #tpu.memory_space<vmem>>
      %dma_wait3A_28 = arith.constant 0 : i32
      %dma_wait3A_29 = arith.constant 0 : i32
      %dma_wait3A_30 = tpu.memref_slice %arg2[%dma_wait3A_28, %dma_wait3A_29] : memref<50000x128xf32, #tpu.memory_space<hbm>> -> memref<50000x128xf32, #tpu.memory_space<hbm>>
      tpu.wait_indirect_dma semaphore(%arg13 : memref<!tpu.dma_semaphore, #tpu.memory_space<semaphore_mem>>) src(%dma_wait3A_30 : memref<50000x128xf32, #tpu.memory_space<hbm>>) dst(%arg9 : memref<80x128xf32, #tpu.memory_space<vmem>>)
      %mul3A_31 = arith.constant 80 : i32
      %mul3A_32 = arith.muli %mul3A_21, %mul3A_31 : i32
      %dma_wait3A_33 = tpu.memref_slice %arg8[%mul3A_32] : memref<10000xi32, #tpu.memory_space<vmem>> -> memref<80xi32, #tpu.memory_space<vmem>>
      %dma_wait3A_34 = arith.constant 0 : i32
      %dma_wait3A_35 = arith.constant 0 : i32
      %dma_wait3A_36 = tpu.memref_slice %arg3[%dma_wait3A_34, %dma_wait3A_35] : memref<10000x128xf32, #tpu.memory_space<hbm>> -> memref<10000x128xf32, #tpu.memory_space<hbm>>
      tpu.wait_indirect_dma semaphore(%arg14 : memref<!tpu.dma_semaphore, #tpu.memory_space<semaphore_mem>>) src(%dma_wait3A_36 : memref<10000x128xf32, #tpu.memory_space<hbm>>) dst(%arg10 : memref<80x128xf32, #tpu.memory_space<vmem>>)
      %scan3A_37 = arith.constant 0 : i32
      %scan3A_38 = arith.constant 0 : i32
      %scan3A_39 = arith.constant 80 : i32
      %scan3A_40 = arith.addi %scan3A_38, %scan3A_39 : i32
      %scan3A_41 = arith.constant 1 : i32
      %scan3A_42 = scf.for %scan3A_60 = %scan3A_38 to %scan3A_40 step %scan3A_41 iter_args(%scan3A_61 = %scan3A_37) -> (i32)  : i32 {
        %get3A = arith.index_cast %scan3A_60 : i32 to index
        %get3A_62 = arith.constant 0 : index
        %get3A_63 = tpu.vector_load %arg9[%get3A, %get3A_62] {strides = array<i32>} : memref<80x128xf32, #tpu.memory_space<vmem>>, vector<1x16xf32>,
        %get3A_64 = vector.shape_cast %get3A_63 : vector<1x16xf32> to vector<16xf32>
        %get3A_65 = arith.index_cast %scan3A_60 : i32 to index
        %get3A_66 = arith.constant 0 : index
        %get3A_67 = tpu.vector_load %arg10[%get3A_65, %get3A_66] {strides = array<i32>} : memref<80x128xf32, #tpu.memory_space<vmem>>, vector<1x16xf32>,
        %get3A_68 = vector.shape_cast %get3A_67 : vector<1x16xf32> to vector<16xf32>
        %add3A_69 = arith.addf %get3A_64, %get3A_68 : vector<16xf32>
        %max3A = arith.constant 0.000000e+00 : f32
        %max3A_70 = vector.broadcast %max3A : f32 to vector<16xf32>
        %max3A_71 = arith.maximumf %add3A_69, %max3A_70 : vector<16xf32>
        %swap3A = arith.index_cast %scan3A_60 : i32 to index
        %swap3A_72 = arith.constant 0 : index
        %swap3A_73 = tpu.vector_load %arg9[%swap3A, %swap3A_72] {strides = array<i32>} : memref<80x128xf32, #tpu.memory_space<vmem>>, vector<1x16xf32>,
        %swap3A_74 = vector.shape_cast %swap3A_73 : vector<1x16xf32> to vector<16xf32>
        %swap3A_75 = vector.shape_cast %max3A_71 : vector<16xf32> to vector<1x16xf32>
        tpu.vector_store %arg9[%swap3A, %swap3A_72], %swap3A_75 {strides = array<i32>} : memref<80x128xf32, #tpu.memory_space<vmem>>, vector<1x16xf32>,
        %get3A_76 = arith.index_cast %scan3A_60 : i32 to index
        %get3A_77 = arith.constant 16 : index
        %get3A_78 = tpu.vector_load %arg9[%get3A_76, %get3A_77] {strides = array<i32>} : memref<80x128xf32, #tpu.memory_space<vmem>>, vector<1x16xf32>,
        %get3A_79 = vector.shape_cast %get3A_78 : vector<1x16xf32> to vector<16xf32>
        %get3A_80 = arith.index_cast %scan3A_60 : i32 to index
        %get3A_81 = arith.constant 16 : index
        %get3A_82 = tpu.vector_load %arg10[%get3A_80, %get3A_81] {strides = array<i32>} : memref<80x128xf32, #tpu.memory_space<vmem>>, vector<1x16xf32>,
        %get3A_83 = vector.shape_cast %get3A_82 : vector<1x16xf32> to vector<16xf32>
        %add3A_84 = arith.addf %get3A_79, %get3A_83 : vector<16xf32>
        %max3A_85 = arith.constant 0.000000e+00 : f32
        %max3A_86 = vector.broadcast %max3A_85 : f32 to vector<16xf32>
        %max3A_87 = arith.maximumf %add3A_84, %max3A_86 : vector<16xf32>
        %swap3A_88 = arith.index_cast %scan3A_60 : i32 to index
        %swap3A_89 = arith.constant 16 : index
        %swap3A_90 = tpu.vector_load %arg9[%swap3A_88, %swap3A_89] {strides = array<i32>} : memref<80x128xf32, #tpu.memory_space<vmem>>, vector<1x16xf32>,
        %swap3A_91 = vector.shape_cast %swap3A_90 : vector<1x16xf32> to vector<16xf32>
        %swap3A_92 = vector.shape_cast %max3A_87 : vector<16xf32> to vector<1x16xf32>
        tpu.vector_store %arg9[%swap3A_88, %swap3A_89], %swap3A_92 {strides = array<i32>} : memref<80x128xf32, #tpu.memory_space<vmem>>, vector<1x16xf32>,
        %get3A_93 = arith.index_cast %scan3A_60 : i32 to index
        %get3A_94 = arith.constant 32 : index
        %get3A_95 = tpu.vector_load %arg9[%get3A_93, %get3A_94] {strides = array<i32>} : memref<80x128xf32, #tpu.memory_space<vmem>>, vector<1x16xf32>,
        %get3A_96 = vector.shape_cast %get3A_95 : vector<1x16xf32> to vector<16xf32>
        %get3A_97 = arith.index_cast %scan3A_60 : i32 to index
        %get3A_98 = arith.constant 32 : index
        %get3A_99 = tpu.vector_load %arg10[%get3A_97, %get3A_98] {strides = array<i32>} : memref<80x128xf32, #tpu.memory_space<vmem>>, vector<1x16xf32>,
        %get3A_100 = vector.shape_cast %get3A_99 : vector<1x16xf32> to vector<16xf32>
        %add3A_101 = arith.addf %get3A_96, %get3A_100 : vector<16xf32>
        %max3A_102 = arith.constant 0.000000e+00 : f32
        %max3A_103 = vector.broadcast %max3A_102 : f32 to vector<16xf32>
        %max3A_104 = arith.maximumf %add3A_101, %max3A_103 : vector<16xf32>
        %swap3A_105 = arith.index_cast %scan3A_60 : i32 to index
        %swap3A_106 = arith.constant 32 : index
        %swap3A_107 = tpu.vector_load %arg9[%swap3A_105, %swap3A_106] {strides = array<i32>} : memref<80x128xf32, #tpu.memory_space<vmem>>, vector<1x16xf32>,
        %swap3A_108 = vector.shape_cast %swap3A_107 : vector<1x16xf32> to vector<16xf32>
        %swap3A_109 = vector.shape_cast %max3A_104 : vector<16xf32> to vector<1x16xf32>
        tpu.vector_store %arg9[%swap3A_105, %swap3A_106], %swap3A_109 {strides = array<i32>} : memref<80x128xf32, #tpu.memory_space<vmem>>, vector<1x16xf32>,
        %get3A_110 = arith.index_cast %scan3A_60 : i32 to index
        %get3A_111 = arith.constant 48 : index
        %get3A_112 = tpu.vector_load %arg9[%get3A_110, %get3A_111] {strides = array<i32>} : memref<80x128xf32, #tpu.memory_space<vmem>>, vector<1x16xf32>,
        %get3A_113 = vector.shape_cast %get3A_112 : vector<1x16xf32> to vector<16xf32>
        %get3A_114 = arith.index_cast %scan3A_60 : i32 to index
        %get3A_115 = arith.constant 48 : index
        %get3A_116 = tpu.vector_load %arg10[%get3A_114, %get3A_115] {strides = array<i32>} : memref<80x128xf32, #tpu.memory_space<vmem>>, vector<1x16xf32>,
        %get3A_117 = vector.shape_cast %get3A_116 : vector<1x16xf32> to vector<16xf32>
        %add3A_118 = arith.addf %get3A_113, %get3A_117 : vector<16xf32>
        %max3A_119 = arith.constant 0.000000e+00 : f32
        %max3A_120 = vector.broadcast %max3A_119 : f32 to vector<16xf32>
        %max3A_121 = arith.maximumf %add3A_118, %max3A_120 : vector<16xf32>
        %swap3A_122 = arith.index_cast %scan3A_60 : i32 to index
        %swap3A_123 = arith.constant 48 : index
        %swap3A_124 = tpu.vector_load %arg9[%swap3A_122, %swap3A_123] {strides = array<i32>} : memref<80x128xf32, #tpu.memory_space<vmem>>, vector<1x16xf32>,
        %swap3A_125 = vector.shape_cast %swap3A_124 : vector<1x16xf32> to vector<16xf32>
        %swap3A_126 = vector.shape_cast %max3A_121 : vector<16xf32> to vector<1x16xf32>
        tpu.vector_store %arg9[%swap3A_122, %swap3A_123], %swap3A_126 {strides = array<i32>} : memref<80x128xf32, #tpu.memory_space<vmem>>, vector<1x16xf32>,
        %get3A_127 = arith.index_cast %scan3A_60 : i32 to index
        %get3A_128 = arith.constant 64 : index
        %get3A_129 = tpu.vector_load %arg9[%get3A_127, %get3A_128] {strides = array<i32>} : memref<80x128xf32, #tpu.memory_space<vmem>>, vector<1x16xf32>,
        %get3A_130 = vector.shape_cast %get3A_129 : vector<1x16xf32> to vector<16xf32>
        %get3A_131 = arith.index_cast %scan3A_60 : i32 to index
        %get3A_132 = arith.constant 64 : index
        %get3A_133 = tpu.vector_load %arg10[%get3A_131, %get3A_132] {strides = array<i32>} : memref<80x128xf32, #tpu.memory_space<vmem>>, vector<1x16xf32>,
        %get3A_134 = vector.shape_cast %get3A_133 : vector<1x16xf32> to vector<16xf32>
        %add3A_135 = arith.addf %get3A_130, %get3A_134 : vector<16xf32>
        %max3A_136 = arith.constant 0.000000e+00 : f32
        %max3A_137 = vector.broadcast %max3A_136 : f32 to vector<16xf32>
        %max3A_138 = arith.maximumf %add3A_135, %max3A_137 : vector<16xf32>
        %swap3A_139 = arith.index_cast %scan3A_60 : i32 to index
        %swap3A_140 = arith.constant 64 : index
        %swap3A_141 = tpu.vector_load %arg9[%swap3A_139, %swap3A_140] {strides = array<i32>} : memref<80x128xf32, #tpu.memory_space<vmem>>, vector<1x16xf32>,
        %swap3A_142 = vector.shape_cast %swap3A_141 : vector<1x16xf32> to vector<16xf32>
        %swap3A_143 = vector.shape_cast %max3A_138 : vector<16xf32> to vector<1x16xf32>
        tpu.vector_store %arg9[%swap3A_139, %swap3A_140], %swap3A_143 {strides = array<i32>} : memref<80x128xf32, #tpu.memory_space<vmem>>, vector<1x16xf32>,
        %get3A_144 = arith.index_cast %scan3A_60 : i32 to index
        %get3A_145 = arith.constant 80 : index
        %get3A_146 = tpu.vector_load %arg9[%get3A_144, %get3A_145] {strides = array<i32>} : memref<80x128xf32, #tpu.memory_space<vmem>>, vector<1x16xf32>,
        %get3A_147 = vector.shape_cast %get3A_146 : vector<1x16xf32> to vector<16xf32>
        %get3A_148 = arith.index_cast %scan3A_60 : i32 to index
        %get3A_149 = arith.constant 80 : index
        %get3A_150 = tpu.vector_load %arg10[%get3A_148, %get3A_149] {strides = array<i32>} : memref<80x128xf32, #tpu.memory_space<vmem>>, vector<1x16xf32>,
        %get3A_151 = vector.shape_cast %get3A_150 : vector<1x16xf32> to vector<16xf32>
        %add3A_152 = arith.addf %get3A_147, %get3A_151 : vector<16xf32>
        %max3A_153 = arith.constant 0.000000e+00 : f32
        %max3A_154 = vector.broadcast %max3A_153 : f32 to vector<16xf32>
        %max3A_155 = arith.maximumf %add3A_152, %max3A_154 : vector<16xf32>
        %swap3A_156 = arith.index_cast %scan3A_60 : i32 to index
        %swap3A_157 = arith.constant 80 : index
        %swap3A_158 = tpu.vector_load %arg9[%swap3A_156, %swap3A_157] {strides = array<i32>} : memref<80x128xf32, #tpu.memory_space<vmem>>, vector<1x16xf32>,
        %swap3A_159 = vector.shape_cast %swap3A_158 : vector<1x16xf32> to vector<16xf32>
        %swap3A_160 = vector.shape_cast %max3A_155 : vector<16xf32> to vector<1x16xf32>
        tpu.vector_store %arg9[%swap3A_156, %swap3A_157], %swap3A_160 {strides = array<i32>} : memref<80x128xf32, #tpu.memory_space<vmem>>, vector<1x16xf32>,
        %get3A_161 = arith.index_cast %scan3A_60 : i32 to index
        %get3A_162 = arith.constant 96 : index
        %get3A_163 = tpu.vector_load %arg9[%get3A_161, %get3A_162] {strides = array<i32>} : memref<80x128xf32, #tpu.memory_space<vmem>>, vector<1x16xf32>,
        %get3A_164 = vector.shape_cast %get3A_163 : vector<1x16xf32> to vector<16xf32>
        %get3A_165 = arith.index_cast %scan3A_60 : i32 to index
        %get3A_166 = arith.constant 96 : index
        %get3A_167 = tpu.vector_load %arg10[%get3A_165, %get3A_166] {strides = array<i32>} : memref<80x128xf32, #tpu.memory_space<vmem>>, vector<1x16xf32>,
        %get3A_168 = vector.shape_cast %get3A_167 : vector<1x16xf32> to vector<16xf32>
        %add3A_169 = arith.addf %get3A_164, %get3A_168 : vector<16xf32>
        %max3A_170 = arith.constant 0.000000e+00 : f32
        %max3A_171 = vector.broadcast %max3A_170 : f32 to vector<16xf32>
        %max3A_172 = arith.maximumf %add3A_169, %max3A_171 : vector<16xf32>
        %swap3A_173 = arith.index_cast %scan3A_60 : i32 to index
        %swap3A_174 = arith.constant 96 : index
        %swap3A_175 = tpu.vector_load %arg9[%swap3A_173, %swap3A_174] {strides = array<i32>} : memref<80x128xf32, #tpu.memory_space<vmem>>, vector<1x16xf32>,
        %swap3A_176 = vector.shape_cast %swap3A_175 : vector<1x16xf32> to vector<16xf32>
        %swap3A_177 = vector.shape_cast %max3A_172 : vector<16xf32> to vector<1x16xf32>
        tpu.vector_store %arg9[%swap3A_173, %swap3A_174], %swap3A_177 {strides = array<i32>} : memref<80x128xf32, #tpu.memory_space<vmem>>, vector<1x16xf32>,
        %get3A_178 = arith.index_cast %scan3A_60 : i32 to index
        %get3A_179 = arith.constant 112 : index
        %get3A_180 = tpu.vector_load %arg9[%get3A_178, %get3A_179] {strides = array<i32>} : memref<80x128xf32, #tpu.memory_space<vmem>>, vector<1x16xf32>,
        %get3A_181 = vector.shape_cast %get3A_180 : vector<1x16xf32> to vector<16xf32>
        %get3A_182 = arith.index_cast %scan3A_60 : i32 to index
        %get3A_183 = arith.constant 112 : index
        %get3A_184 = tpu.vector_load %arg10[%get3A_182, %get3A_183] {strides = array<i32>} : memref<80x128xf32, #tpu.memory_space<vmem>>, vector<1x16xf32>,
        %get3A_185 = vector.shape_cast %get3A_184 : vector<1x16xf32> to vector<16xf32>
        %add3A_186 = arith.addf %get3A_181, %get3A_185 : vector<16xf32>
        %max3A_187 = arith.constant 0.000000e+00 : f32
        %max3A_188 = vector.broadcast %max3A_187 : f32 to vector<16xf32>
        %max3A_189 = arith.maximumf %add3A_186, %max3A_188 : vector<16xf32>
        %swap3A_190 = arith.index_cast %scan3A_60 : i32 to index
        %swap3A_191 = arith.constant 112 : index
        %swap3A_192 = tpu.vector_load %arg9[%swap3A_190, %swap3A_191] {strides = array<i32>} : memref<80x128xf32, #tpu.memory_space<vmem>>, vector<1x16xf32>,
        %swap3A_193 = vector.shape_cast %swap3A_192 : vector<1x16xf32> to vector<16xf32>
        %swap3A_194 = vector.shape_cast %max3A_189 : vector<16xf32> to vector<1x16xf32>
        tpu.vector_store %arg9[%swap3A_190, %swap3A_191], %swap3A_194 {strides = array<i32>} : memref<80x128xf32, #tpu.memory_space<vmem>>, vector<1x16xf32>,
        %scan3A_195 = arith.constant 0 : i32
        scf.yield %scan3A_195 : i32
      }
      %scan3A_43 = arith.constant 80 : i32
      %mul3A_44 = arith.constant 80 : i32
      %mul3A_45 = arith.muli %mul3A_21, %mul3A_44 : i32
      %add3A_46 = arith.addi %mul3A_2, %mul3A_45 : i32
      "tpu.region"() ({
        %run_scoped3A = tpu.sem_alloc : memref<!tpu.dma_semaphore, #tpu.memory_space<semaphore_mem>>
        %dma_start3A_60 = arith.constant 0 : i32
        %dma_start3A_61 = tpu.memref_slice %arg6[%add3A_46, %dma_start3A_60] : memref<320000x128xf32, #tpu.memory_space<hbm>> -> memref<80x128xf32, #tpu.memory_space<hbm>>
        %dma_start3A_62 = arith.constant 0 : i32
        %dma_start3A_63 = tpu.memref_slice %arg6[%add3A_46, %dma_start3A_62] : memref<320000x128xf32, #tpu.memory_space<hbm>> -> memref<80x128xf32, #tpu.memory_space<hbm>>
        tpu.enqueue_dma source(%arg9 : memref<80x128xf32, #tpu.memory_space<vmem>>) target(%dma_start3A_63 : memref<80x128xf32, #tpu.memory_space<hbm>>) target_semaphore(%run_scoped3A : memref<!tpu.dma_semaphore, #tpu.memory_space<semaphore_mem>>)
        %dma_wait3A_64 = arith.constant 0 : i32
        %dma_wait3A_65 = tpu.memref_slice %arg6[%add3A_46, %dma_wait3A_64] : memref<320000x128xf32, #tpu.memory_space<hbm>> -> memref<80x128xf32, #tpu.memory_space<hbm>>
        %dma_wait3A_66 = arith.constant 0 : i32
        %dma_wait3A_67 = tpu.memref_slice %arg6[%add3A_46, %dma_wait3A_66] : memref<320000x128xf32, #tpu.memory_space<hbm>> -> memref<80x128xf32, #tpu.memory_space<hbm>>
        tpu.wait_dma2 semaphore(%run_scoped3A : memref<!tpu.dma_semaphore, #tpu.memory_space<semaphore_mem>>) src(%arg9 : memref<80x128xf32, #tpu.memory_space<vmem>>) dst(%dma_wait3A_67 : memref<80x128xf32, #tpu.memory_space<hbm>>)
        tpu.yield
      }) : () -> ()
      %add3A_47 = arith.constant 2 : i32
      %add3A_48 = arith.addi %mul3A_21, %add3A_47 : i32
      %lt3A_49 = arith.constant 125 : i32
      %lt3A_50 = arith.cmpi slt, %add3A_48, %lt3A_49 : i32
      %convert_element_type3A_51 = arith.extui %lt3A_50 : i1 to i32
      %cond3A_52 = arith.constant 0 : i32
      %cond3A_53 = arith.cmpi ne, %convert_element_type3A_51, %cond3A_52 : i32
      scf.if %cond3A_53 {
        %add3A_60 = arith.constant 2 : i32
        %add3A_61 = arith.addi %mul3A_21, %add3A_60 : i32
        %mul3A_62 = arith.constant 80 : i32
        %mul3A_63 = arith.muli %add3A_61, %mul3A_62 : i32
        %dma_start3A_64 = tpu.memref_slice %arg7[%mul3A_63] : memref<10000xi32, #tpu.memory_space<vmem>> -> memref<80xi32, #tpu.memory_space<vmem>>
        %dma_start3A_65 = arith.constant 0 : i32
        %dma_start3A_66 = arith.constant 0 : i32
        %dma_start3A_67 = tpu.memref_slice %arg2[%dma_start3A_65, %dma_start3A_66] : memref<50000x128xf32, #tpu.memory_space<hbm>> -> memref<50000x128xf32, #tpu.memory_space<hbm>>
        tpu.enqueue_indirect_dma source(%dma_start3A_67 : memref<50000x128xf32, #tpu.memory_space<hbm>>) target(%arg9 : memref<80x128xf32, #tpu.memory_space<vmem>>) offsets(%dma_start3A_64 : memref<80xi32, #tpu.memory_space<vmem>>) semaphore(%arg13 : memref<!tpu.dma_semaphore, #tpu.memory_space<semaphore_mem>>)
        %mul3A_68 = arith.constant 80 : i32
        %mul3A_69 = arith.muli %add3A_61, %mul3A_68 : i32
        %dma_start3A_70 = tpu.memref_slice %arg8[%mul3A_69] : memref<10000xi32, #tpu.memory_space<vmem>> -> memref<80xi32, #tpu.memory_space<vmem>>
        %dma_start3A_71 = arith.constant 0 : i32
        %dma_start3A_72 = arith.constant 0 : i32
        %dma_start3A_73 = tpu.memref_slice %arg3[%dma_start3A_71, %dma_start3A_72] : memref<10000x128xf32, #tpu.memory_space<hbm>> -> memref<10000x128xf32, #tpu.memory_space<hbm>>
        tpu.enqueue_indirect_dma source(%dma_start3A_73 : memref<10000x128xf32, #tpu.memory_space<hbm>>) target(%arg10 : memref<80x128xf32, #tpu.memory_space<vmem>>) offsets(%dma_start3A_70 : memref<80xi32, #tpu.memory_space<vmem>>) semaphore(%arg14 : memref<!tpu.dma_semaphore, #tpu.memory_space<semaphore_mem>>)
      } else {
      }
      %lt3A_54 = arith.constant 125 : i32
      %lt3A_55 = arith.cmpi slt, %add3A_23, %lt3A_54 : i32
      %convert_element_type3A_56 = arith.extui %lt3A_55 : i1 to i32
      %cond3A_57 = arith.constant 0 : i32
      %cond3A_58 = arith.cmpi ne, %convert_element_type3A_56, %cond3A_57 : i32
      scf.if %cond3A_58 {
        %mul3A_60 = arith.constant 80 : i32
        %mul3A_61 = arith.muli %add3A_23, %mul3A_60 : i32
        %dma_wait3A_62 = tpu.memref_slice %arg7[%mul3A_61] : memref<10000xi32, #tpu.memory_space<vmem>> -> memref<80xi32, #tpu.memory_space<vmem>>
        %dma_wait3A_63 = arith.constant 0 : i32
        %dma_wait3A_64 = arith.constant 0 : i32
        %dma_wait3A_65 = tpu.memref_slice %arg2[%dma_wait3A_63, %dma_wait3A_64] : memref<50000x128xf32, #tpu.memory_space<hbm>> -> memref<50000x128xf32, #tpu.memory_space<hbm>>
        tpu.wait_indirect_dma semaphore(%arg15 : memref<!tpu.dma_semaphore, #tpu.memory_space<semaphore_mem>>) src(%dma_wait3A_65 : memref<50000x128xf32, #tpu.memory_space<hbm>>) dst(%arg11 : memref<80x128xf32, #tpu.memory_space<vmem>>)
        %mul3A_66 = arith.constant 80 : i32
        %mul3A_67 = arith.muli %add3A_23, %mul3A_66 : i32
        %dma_wait3A_68 = tpu.memref_slice %arg8[%mul3A_67] : memref<10000xi32, #tpu.memory_space<vmem>> -> memref<80xi32, #tpu.memory_space<vmem>>
        %dma_wait3A_69 = arith.constant 0 : i32
        %dma_wait3A_70 = arith.constant 0 : i32
        %dma_wait3A_71 = tpu.memref_slice %arg3[%dma_wait3A_69, %dma_wait3A_70] : memref<10000x128xf32, #tpu.memory_space<hbm>> -> memref<10000x128xf32, #tpu.memory_space<hbm>>
        tpu.wait_indirect_dma semaphore(%arg16 : memref<!tpu.dma_semaphore, #tpu.memory_space<semaphore_mem>>) src(%dma_wait3A_71 : memref<10000x128xf32, #tpu.memory_space<hbm>>) dst(%arg12 : memref<80x128xf32, #tpu.memory_space<vmem>>)
        %scan3A_72 = arith.constant 0 : i32
        %scan3A_73 = arith.constant 0 : i32
        %scan3A_74 = arith.constant 80 : i32
        %scan3A_75 = arith.addi %scan3A_73, %scan3A_74 : i32
        %scan3A_76 = arith.constant 1 : i32
        %scan3A_77 = scf.for %scan3A_82 = %scan3A_73 to %scan3A_75 step %scan3A_76 iter_args(%scan3A_83 = %scan3A_72) -> (i32)  : i32 {
          %get3A = arith.index_cast %scan3A_82 : i32 to index
          %get3A_84 = arith.constant 0 : index
          %get3A_85 = tpu.vector_load %arg11[%get3A, %get3A_84] {strides = array<i32>} : memref<80x128xf32, #tpu.memory_space<vmem>>, vector<1x16xf32>,
          %get3A_86 = vector.shape_cast %get3A_85 : vector<1x16xf32> to vector<16xf32>
          %get3A_87 = arith.index_cast %scan3A_82 : i32 to index
          %get3A_88 = arith.constant 0 : index
          %get3A_89 = tpu.vector_load %arg12[%get3A_87, %get3A_88] {strides = array<i32>} : memref<80x128xf32, #tpu.memory_space<vmem>>, vector<1x16xf32>,
          %get3A_90 = vector.shape_cast %get3A_89 : vector<1x16xf32> to vector<16xf32>
          %add3A_91 = arith.addf %get3A_86, %get3A_90 : vector<16xf32>
          %max3A = arith.constant 0.000000e+00 : f32
          %max3A_92 = vector.broadcast %max3A : f32 to vector<16xf32>
          %max3A_93 = arith.maximumf %add3A_91, %max3A_92 : vector<16xf32>
          %swap3A = arith.index_cast %scan3A_82 : i32 to index
          %swap3A_94 = arith.constant 0 : index
          %swap3A_95 = tpu.vector_load %arg11[%swap3A, %swap3A_94] {strides = array<i32>} : memref<80x128xf32, #tpu.memory_space<vmem>>, vector<1x16xf32>,
          %swap3A_96 = vector.shape_cast %swap3A_95 : vector<1x16xf32> to vector<16xf32>
          %swap3A_97 = vector.shape_cast %max3A_93 : vector<16xf32> to vector<1x16xf32>
          tpu.vector_store %arg11[%swap3A, %swap3A_94], %swap3A_97 {strides = array<i32>} : memref<80x128xf32, #tpu.memory_space<vmem>>, vector<1x16xf32>,
          %get3A_98 = arith.index_cast %scan3A_82 : i32 to index
          %get3A_99 = arith.constant 16 : index
          %get3A_100 = tpu.vector_load %arg11[%get3A_98, %get3A_99] {strides = array<i32>} : memref<80x128xf32, #tpu.memory_space<vmem>>, vector<1x16xf32>,
          %get3A_101 = vector.shape_cast %get3A_100 : vector<1x16xf32> to vector<16xf32>
          %get3A_102 = arith.index_cast %scan3A_82 : i32 to index
          %get3A_103 = arith.constant 16 : index
          %get3A_104 = tpu.vector_load %arg12[%get3A_102, %get3A_103] {strides = array<i32>} : memref<80x128xf32, #tpu.memory_space<vmem>>, vector<1x16xf32>,
          %get3A_105 = vector.shape_cast %get3A_104 : vector<1x16xf32> to vector<16xf32>
          %add3A_106 = arith.addf %get3A_101, %get3A_105 : vector<16xf32>
          %max3A_107 = arith.constant 0.000000e+00 : f32
          %max3A_108 = vector.broadcast %max3A_107 : f32 to vector<16xf32>
          %max3A_109 = arith.maximumf %add3A_106, %max3A_108 : vector<16xf32>
          %swap3A_110 = arith.index_cast %scan3A_82 : i32 to index
          %swap3A_111 = arith.constant 16 : index
          %swap3A_112 = tpu.vector_load %arg11[%swap3A_110, %swap3A_111] {strides = array<i32>} : memref<80x128xf32, #tpu.memory_space<vmem>>, vector<1x16xf32>,
          %swap3A_113 = vector.shape_cast %swap3A_112 : vector<1x16xf32> to vector<16xf32>
          %swap3A_114 = vector.shape_cast %max3A_109 : vector<16xf32> to vector<1x16xf32>
          tpu.vector_store %arg11[%swap3A_110, %swap3A_111], %swap3A_114 {strides = array<i32>} : memref<80x128xf32, #tpu.memory_space<vmem>>, vector<1x16xf32>,
          %get3A_115 = arith.index_cast %scan3A_82 : i32 to index
          %get3A_116 = arith.constant 32 : index
          %get3A_117 = tpu.vector_load %arg11[%get3A_115, %get3A_116] {strides = array<i32>} : memref<80x128xf32, #tpu.memory_space<vmem>>, vector<1x16xf32>,
          %get3A_118 = vector.shape_cast %get3A_117 : vector<1x16xf32> to vector<16xf32>
          %get3A_119 = arith.index_cast %scan3A_82 : i32 to index
          %get3A_120 = arith.constant 32 : index
          %get3A_121 = tpu.vector_load %arg12[%get3A_119, %get3A_120] {strides = array<i32>} : memref<80x128xf32, #tpu.memory_space<vmem>>, vector<1x16xf32>,
          %get3A_122 = vector.shape_cast %get3A_121 : vector<1x16xf32> to vector<16xf32>
          %add3A_123 = arith.addf %get3A_118, %get3A_122 : vector<16xf32>
          %max3A_124 = arith.constant 0.000000e+00 : f32
          %max3A_125 = vector.broadcast %max3A_124 : f32 to vector<16xf32>
          %max3A_126 = arith.maximumf %add3A_123, %max3A_125 : vector<16xf32>
          %swap3A_127 = arith.index_cast %scan3A_82 : i32 to index
          %swap3A_128 = arith.constant 32 : index
          %swap3A_129 = tpu.vector_load %arg11[%swap3A_127, %swap3A_128] {strides = array<i32>} : memref<80x128xf32, #tpu.memory_space<vmem>>, vector<1x16xf32>,
          %swap3A_130 = vector.shape_cast %swap3A_129 : vector<1x16xf32> to vector<16xf32>
          %swap3A_131 = vector.shape_cast %max3A_126 : vector<16xf32> to vector<1x16xf32>
          tpu.vector_store %arg11[%swap3A_127, %swap3A_128], %swap3A_131 {strides = array<i32>} : memref<80x128xf32, #tpu.memory_space<vmem>>, vector<1x16xf32>,
          %get3A_132 = arith.index_cast %scan3A_82 : i32 to index
          %get3A_133 = arith.constant 48 : index
          %get3A_134 = tpu.vector_load %arg11[%get3A_132, %get3A_133] {strides = array<i32>} : memref<80x128xf32, #tpu.memory_space<vmem>>, vector<1x16xf32>,
          %get3A_135 = vector.shape_cast %get3A_134 : vector<1x16xf32> to vector<16xf32>
          %get3A_136 = arith.index_cast %scan3A_82 : i32 to index
          %get3A_137 = arith.constant 48 : index
          %get3A_138 = tpu.vector_load %arg12[%get3A_136, %get3A_137] {strides = array<i32>} : memref<80x128xf32, #tpu.memory_space<vmem>>, vector<1x16xf32>,
          %get3A_139 = vector.shape_cast %get3A_138 : vector<1x16xf32> to vector<16xf32>
          %add3A_140 = arith.addf %get3A_135, %get3A_139 : vector<16xf32>
          %max3A_141 = arith.constant 0.000000e+00 : f32
          %max3A_142 = vector.broadcast %max3A_141 : f32 to vector<16xf32>
          %max3A_143 = arith.maximumf %add3A_140, %max3A_142 : vector<16xf32>
          %swap3A_144 = arith.index_cast %scan3A_82 : i32 to index
          %swap3A_145 = arith.constant 48 : index
          %swap3A_146 = tpu.vector_load %arg11[%swap3A_144, %swap3A_145] {strides = array<i32>} : memref<80x128xf32, #tpu.memory_space<vmem>>, vector<1x16xf32>,
          %swap3A_147 = vector.shape_cast %swap3A_146 : vector<1x16xf32> to vector<16xf32>
          %swap3A_148 = vector.shape_cast %max3A_143 : vector<16xf32> to vector<1x16xf32>
          tpu.vector_store %arg11[%swap3A_144, %swap3A_145], %swap3A_148 {strides = array<i32>} : memref<80x128xf32, #tpu.memory_space<vmem>>, vector<1x16xf32>,
          %get3A_149 = arith.index_cast %scan3A_82 : i32 to index
          %get3A_150 = arith.constant 64 : index
          %get3A_151 = tpu.vector_load %arg11[%get3A_149, %get3A_150] {strides = array<i32>} : memref<80x128xf32, #tpu.memory_space<vmem>>, vector<1x16xf32>,
          %get3A_152 = vector.shape_cast %get3A_151 : vector<1x16xf32> to vector<16xf32>
          %get3A_153 = arith.index_cast %scan3A_82 : i32 to index
          %get3A_154 = arith.constant 64 : index
          %get3A_155 = tpu.vector_load %arg12[%get3A_153, %get3A_154] {strides = array<i32>} : memref<80x128xf32, #tpu.memory_space<vmem>>, vector<1x16xf32>,
          %get3A_156 = vector.shape_cast %get3A_155 : vector<1x16xf32> to vector<16xf32>
          %add3A_157 = arith.addf %get3A_152, %get3A_156 : vector<16xf32>
          %max3A_158 = arith.constant 0.000000e+00 : f32
          %max3A_159 = vector.broadcast %max3A_158 : f32 to vector<16xf32>
          %max3A_160 = arith.maximumf %add3A_157, %max3A_159 : vector<16xf32>
          %swap3A_161 = arith.index_cast %scan3A_82 : i32 to index
          %swap3A_162 = arith.constant 64 : index
          %swap3A_163 = tpu.vector_load %arg11[%swap3A_161, %swap3A_162] {strides = array<i32>} : memref<80x128xf32, #tpu.memory_space<vmem>>, vector<1x16xf32>,
          %swap3A_164 = vector.shape_cast %swap3A_163 : vector<1x16xf32> to vector<16xf32>
          %swap3A_165 = vector.shape_cast %max3A_160 : vector<16xf32> to vector<1x16xf32>
          tpu.vector_store %arg11[%swap3A_161, %swap3A_162], %swap3A_165 {strides = array<i32>} : memref<80x128xf32, #tpu.memory_space<vmem>>, vector<1x16xf32>,
          %get3A_166 = arith.index_cast %scan3A_82 : i32 to index
          %get3A_167 = arith.constant 80 : index
          %get3A_168 = tpu.vector_load %arg11[%get3A_166, %get3A_167] {strides = array<i32>} : memref<80x128xf32, #tpu.memory_space<vmem>>, vector<1x16xf32>,
          %get3A_169 = vector.shape_cast %get3A_168 : vector<1x16xf32> to vector<16xf32>
          %get3A_170 = arith.index_cast %scan3A_82 : i32 to index
          %get3A_171 = arith.constant 80 : index
          %get3A_172 = tpu.vector_load %arg12[%get3A_170, %get3A_171] {strides = array<i32>} : memref<80x128xf32, #tpu.memory_space<vmem>>, vector<1x16xf32>,
          %get3A_173 = vector.shape_cast %get3A_172 : vector<1x16xf32> to vector<16xf32>
          %add3A_174 = arith.addf %get3A_169, %get3A_173 : vector<16xf32>
          %max3A_175 = arith.constant 0.000000e+00 : f32
          %max3A_176 = vector.broadcast %max3A_175 : f32 to vector<16xf32>
          %max3A_177 = arith.maximumf %add3A_174, %max3A_176 : vector<16xf32>
          %swap3A_178 = arith.index_cast %scan3A_82 : i32 to index
          %swap3A_179 = arith.constant 80 : index
          %swap3A_180 = tpu.vector_load %arg11[%swap3A_178, %swap3A_179] {strides = array<i32>} : memref<80x128xf32, #tpu.memory_space<vmem>>, vector<1x16xf32>,
          %swap3A_181 = vector.shape_cast %swap3A_180 : vector<1x16xf32> to vector<16xf32>
          %swap3A_182 = vector.shape_cast %max3A_177 : vector<16xf32> to vector<1x16xf32>
          tpu.vector_store %arg11[%swap3A_178, %swap3A_179], %swap3A_182 {strides = array<i32>} : memref<80x128xf32, #tpu.memory_space<vmem>>, vector<1x16xf32>,
          %get3A_183 = arith.index_cast %scan3A_82 : i32 to index
          %get3A_184 = arith.constant 96 : index
          %get3A_185 = tpu.vector_load %arg11[%get3A_183, %get3A_184] {strides = array<i32>} : memref<80x128xf32, #tpu.memory_space<vmem>>, vector<1x16xf32>,
          %get3A_186 = vector.shape_cast %get3A_185 : vector<1x16xf32> to vector<16xf32>
          %get3A_187 = arith.index_cast %scan3A_82 : i32 to index
          %get3A_188 = arith.constant 96 : index
          %get3A_189 = tpu.vector_load %arg12[%get3A_187, %get3A_188] {strides = array<i32>} : memref<80x128xf32, #tpu.memory_space<vmem>>, vector<1x16xf32>,
          %get3A_190 = vector.shape_cast %get3A_189 : vector<1x16xf32> to vector<16xf32>
          %add3A_191 = arith.addf %get3A_186, %get3A_190 : vector<16xf32>
          %max3A_192 = arith.constant 0.000000e+00 : f32
          %max3A_193 = vector.broadcast %max3A_192 : f32 to vector<16xf32>
          %max3A_194 = arith.maximumf %add3A_191, %max3A_193 : vector<16xf32>
          %swap3A_195 = arith.index_cast %scan3A_82 : i32 to index
          %swap3A_196 = arith.constant 96 : index
          %swap3A_197 = tpu.vector_load %arg11[%swap3A_195, %swap3A_196] {strides = array<i32>} : memref<80x128xf32, #tpu.memory_space<vmem>>, vector<1x16xf32>,
          %swap3A_198 = vector.shape_cast %swap3A_197 : vector<1x16xf32> to vector<16xf32>
          %swap3A_199 = vector.shape_cast %max3A_194 : vector<16xf32> to vector<1x16xf32>
          tpu.vector_store %arg11[%swap3A_195, %swap3A_196], %swap3A_199 {strides = array<i32>} : memref<80x128xf32, #tpu.memory_space<vmem>>, vector<1x16xf32>,
          %get3A_200 = arith.index_cast %scan3A_82 : i32 to index
          %get3A_201 = arith.constant 112 : index
          %get3A_202 = tpu.vector_load %arg11[%get3A_200, %get3A_201] {strides = array<i32>} : memref<80x128xf32, #tpu.memory_space<vmem>>, vector<1x16xf32>,
          %get3A_203 = vector.shape_cast %get3A_202 : vector<1x16xf32> to vector<16xf32>
          %get3A_204 = arith.index_cast %scan3A_82 : i32 to index
          %get3A_205 = arith.constant 112 : index
          %get3A_206 = tpu.vector_load %arg12[%get3A_204, %get3A_205] {strides = array<i32>} : memref<80x128xf32, #tpu.memory_space<vmem>>, vector<1x16xf32>,
          %get3A_207 = vector.shape_cast %get3A_206 : vector<1x16xf32> to vector<16xf32>
          %add3A_208 = arith.addf %get3A_203, %get3A_207 : vector<16xf32>
          %max3A_209 = arith.constant 0.000000e+00 : f32
          %max3A_210 = vector.broadcast %max3A_209 : f32 to vector<16xf32>
          %max3A_211 = arith.maximumf %add3A_208, %max3A_210 : vector<16xf32>
          %swap3A_212 = arith.index_cast %scan3A_82 : i32 to index
          %swap3A_213 = arith.constant 112 : index
          %swap3A_214 = tpu.vector_load %arg11[%swap3A_212, %swap3A_213] {strides = array<i32>} : memref<80x128xf32, #tpu.memory_space<vmem>>, vector<1x16xf32>,
          %swap3A_215 = vector.shape_cast %swap3A_214 : vector<1x16xf32> to vector<16xf32>
          %swap3A_216 = vector.shape_cast %max3A_211 : vector<16xf32> to vector<1x16xf32>
          tpu.vector_store %arg11[%swap3A_212, %swap3A_213], %swap3A_216 {strides = array<i32>} : memref<80x128xf32, #tpu.memory_space<vmem>>, vector<1x16xf32>,
          %scan3A_217 = arith.constant 0 : i32
          scf.yield %scan3A_217 : i32
        }
        %scan3A_78 = arith.constant 80 : i32
        %mul3A_79 = arith.constant 80 : i32
        %mul3A_80 = arith.muli %add3A_23, %mul3A_79 : i32
        %add3A_81 = arith.addi %mul3A_2, %mul3A_80 : i32
        "tpu.region"() ({
          %run_scoped3A = tpu.sem_alloc : memref<!tpu.dma_semaphore, #tpu.memory_space<semaphore_mem>>
          %dma_start3A_82 = arith.constant 0 : i32
          %dma_start3A_83 = tpu.memref_slice %arg6[%add3A_81, %dma_start3A_82] : memref<320000x128xf32, #tpu.memory_space<hbm>> -> memref<80x128xf32, #tpu.memory_space<hbm>>
          %dma_start3A_84 = arith.constant 0 : i32
          %dma_start3A_85 = tpu.memref_slice %arg6[%add3A_81, %dma_start3A_84] : memref<320000x128xf32, #tpu.memory_space<hbm>> -> memref<80x128xf32, #tpu.memory_space<hbm>>
          tpu.enqueue_dma source(%arg11 : memref<80x128xf32, #tpu.memory_space<vmem>>) target(%dma_start3A_85 : memref<80x128xf32, #tpu.memory_space<hbm>>) target_semaphore(%run_scoped3A : memref<!tpu.dma_semaphore, #tpu.memory_space<semaphore_mem>>)
          %dma_wait3A_86 = arith.constant 0 : i32
          %dma_wait3A_87 = tpu.memref_slice %arg6[%add3A_81, %dma_wait3A_86] : memref<320000x128xf32, #tpu.memory_space<hbm>> -> memref<80x128xf32, #tpu.memory_space<hbm>>
          %dma_wait3A_88 = arith.constant 0 : i32
          %dma_wait3A_89 = tpu.memref_slice %arg6[%add3A_81, %dma_wait3A_88] : memref<320000x128xf32, #tpu.memory_space<hbm>> -> memref<80x128xf32, #tpu.memory_space<hbm>>
          tpu.wait_dma2 semaphore(%run_scoped3A : memref<!tpu.dma_semaphore, #tpu.memory_space<semaphore_mem>>) src(%arg11 : memref<80x128xf32, #tpu.memory_space<vmem>>) dst(%dma_wait3A_89 : memref<80x128xf32, #tpu.memory_space<hbm>>)
          tpu.yield
        }) : () -> ()
      } else {
      }
      %scan3A_59 = arith.constant 0 : i32
      scf.yield %scan3A_59 : i32
    }
    %scan3A_17 = arith.constant 63 : i32
    return
  }
}

</mosaic_0001>

<sc_bundles>
// kernel: _sc_gather_relu.3.cloned.1.call-start
scs
__scs_entry_jumppad:
0x0: {  	(pc) =	sbr.rel $0x88, $3  }
0x1: {  	(tag) =	ssettag $0x0;
	lr =	simm.s32 $0x1  }
0x2: {  	[smem:$0x3F9D] =	sst lr;
	_ =	strace $0xD0000000  }
0x3: {  	_ = 	snop  }
0x4: {  	_ = 	snop  }
0x5: {  	_ = 	snop  }
0x6: {  	_ = 	snop  }
0x7: {  	_ = 	snop  }
__scs_overlays_trampoline_lowered:
0x8: {  	[smem:$0x3FAC] =	sst s0  }
0x9: {  	[smem:$0x3FAD] =	sst s1  }
0xa: {  	[smem:$0x3FAE] =	sst s2  }
0xb: {  	[smem:$0x3FAF] =	sst s3  }
0xc: {  	[smem:$0x3FB0] =	sst s4  }
0xd: {  	[smem:$0x3FB1] =	sst s5  }
0xe: {  	[smem:$0x3FB2] =	sst s6  }
0xf: {  	[smem:$0x3FB3] =	sst s7  }
0x10: {  	[smem:$0x3FB4] =	sst s8  }
0x11: {  	[smem:$0x3FB5] =	sst s9;
	s0 =	simm.s32 @!p0 $0x0  }
0x12: {  	s1 =	sld [smem:$0x3F9B];
	s0 =	simm.s32 @p0 $0x1  }
0x13: {  	[smem:$0x3FB6] =	sst s0;
	s0 =	simm.s32 @!p1 $0x0  }
0x14: {  	s2 =	sld [smem:$0x3F9A];
	s0 =	simm.s32 @p1 $0x1  }
0x15: {  	[smem:$0x3FB7] =	sst s0;
	s0 =	simm.s32 @!p2 $0x0  }
0x16: {  	s3 =	sld [smem:$0x3FDB];
	s0 =	simm.s32 @p2 $0x1  }
0x17: {  	s4 =	simm.s32 $0x1BF5;
	[smem:$0x3FB9] =	sst s0  }
0x18: {  	s0 =	sld [smem:$0x3F9C];
	_ =	swait.ge [sflag:s4], $0x0  }
0x19: {  	s7 =	sld [smem:$0x3F9D]  }
0x1a: {  	s8 =	sadd.s32 $0xFFFFE003, lr  }
0x1b: {  	s9 =	sadd.s32 $0xFFFFFEF7, lr;
	s5 =	simm.s32 $0xFFFFFFFF;
	p2 =	slt.u32 s8, $0xFFFFF086  }
0x1c: {  	p1 =	slt.u32 s9, $0xF7A;
	s5 =	simm.s32 @!p2 $0x0  }
0x1d: {  	s5 =	simm.s32 @p1 $0x1;
	p0 =	seq.s32 s7, s2  }
0x1e: {  	s7 =	smul.u32 @!p0 $0xF7A, s2;
	p2 =	seq.s32 @!p0 s5, $0x0  }
0x1f: {  	s9 =	smul.u32 $0xF7A, s1;
	s8 =	simm.s32 @!p0 $0x1BF5;
	p2 =	por !p2, p0  }
0x20: {  	[sflag:s8] =	ssyncset.s32 @!p0 $0xFFFFF086;
	s6 =	sadd.s32 @!p0 s3, s7;
	s7 =	simm.s32 @!p0 $0x108  }
0x21: {  	s3 =	sadd.s32 s3, s9;
	s6 =	sadd.s32 @!p0 $0x88, s6;
	s7 =	simm.s32 @p2 $0x1082  }
0x22: {  	[simem:s7], [sflag:s8] =	dma.local @!p0 [hbm:s6], $0xF7A  }
0x23: {  	s9 =	sor.u32 $0xD0000000, s2;
	s6 =	simm.s32 $0x108;
	_ =	swait.ge @!p0 [sflag:s8], $0x0  }
0x24: {  	s3 =	sadd.s32 $0x88, s3;
	s6 =	simm.s32 @!p1 $0x1082;
	[sflag:s4] =	ssyncset.s32 $0xFFFFF086  }
0x25: {  	[simem:s6], [sflag:s4] =	dma.local [hbm:s3], $0xF7A  }
0x26: {  	[smem:$0x3F9D] =	sst s1;
	(tag) =	ssettag s2;
	_ =	strace s9  }
0x27: {  	s1 =	sld [smem:$0x3FAD]  }
0x28: {  	s2 =	sld [smem:$0x3FAE]  }
0x29: {  	s4 =	sld [smem:$0x3FB0]  }
0x2a: {  	p0 =	seq.s32 s5, $0x0;
	s5 =	sld [smem:$0x3FB1]  }
0x2b: {  	s6 =	sld [smem:$0x3FB2]  }
0x2c: {  	s7 =	sld [smem:$0x3FB3]  }
0x2d: {  	s3 =	simm.s32 $0x108;
	s8 =	sld [smem:$0x3FB4]  }
0x2e: {  	s3 =	simm.s32 @!p0 $0x1082;
	s9 =	sld [smem:$0x3FB5]  }
0x2f: {  	lr =	sadd.s32 s0, s3;
	s0 =	sld [smem:$0x3FAC]  }
0x30: {  	s3 =	sld [smem:$0x3FAF]  }
0x31: {  	[smem:$0x3FB8] =	sst s10  }
0x32: {  	s10 =	sld [smem:$0x3FB6];
	_ =	sdelay $0x3  }
0x33: {  	p0 =	seq.s32 s10, $0x1;
	s10 =	sld [smem:$0x3FB8];
	_ =	sdelay $0x3  }
0x34: {  	[smem:$0x3FB8] =	sst s10  }
0x35: {  	s10 =	sld [smem:$0x3FB7];
	_ =	sdelay $0x3  }
0x36: {  	p1 =	seq.s32 s10, $0x1;
	s10 =	sld [smem:$0x3FB8];
	_ =	sdelay $0x3  }
0x37: {  	[smem:$0x3FB8] =	sst s10  }
0x38: {  	s10 =	sld [smem:$0x3FB9]  }
0x39: {  	_ = 	snop;
	(pc) =	sbr.ind lr, $3  }
0x3a: {  	_ = 	snop  }
0x3b: {  	_ = 	snop  }
0x3c: {  	p2 =	seq.s32 s10, $0x1;
	s10 =	sld [smem:$0x3FB8]  }
0x3d: {  	_ =	shalt  }
0x3e: {  	_ =	shalt  }
0x3f: {  	_ =	shalt  }
0x40: {  	_ =	shalt  }
0x41: {  	_ =	shalt  }
0x42: {  	_ =	shalt  }
0x43: {  	_ =	shalt  }
0x44: {  	_ =	shalt  }
0x45: {  	_ =	shalt  }
0x46: {  	_ =	shalt  }
0x47: {  	_ =	shalt  }
0x48: {  	_ =	shalt  }
0x49: {  	_ =	shalt  }
0x4a: {  	_ =	shalt  }
0x4b: {  	_ =	shalt  }
0x4c: {  	_ =	shalt  }
0x4d: {  	_ =	shalt  }
0x4e: {  	_ =	shalt  }
0x4f: {  	_ =	shalt  }
0x50: {  	_ =	shalt  }
0x51: {  	_ =	shalt  }
0x52: {  	_ =	shalt  }
0x53: {  	_ =	shalt  }
0x54: {  	_ =	shalt  }
0x55: {  	_ =	shalt  }
0x56: {  	_ =	shalt  }
0x57: {  	_ =	shalt  }
0x58: {  	_ =	shalt  }
0x59: {  	_ =	shalt  }
0x5a: {  	_ =	shalt  }
0x5b: {  	_ =	shalt  }
0x5c: {  	_ =	shalt  }
0x5d: {  	_ =	shalt  }
0x5e: {  	_ =	shalt  }
0x5f: {  	_ =	shalt  }
0x60: {  	_ =	shalt  }
0x61: {  	_ =	shalt  }
0x62: {  	_ =	shalt  }
0x63: {  	_ =	shalt  }
0x64: {  	_ =	shalt  }
0x65: {  	_ =	shalt  }
0x66: {  	_ =	shalt  }
0x67: {  	_ =	shalt  }
0x68: {  	_ =	shalt  }
0x69: {  	_ =	shalt  }
0x6a: {  	_ =	shalt  }
0x6b: {  	_ =	shalt  }
0x6c: {  	_ =	shalt  }
0x6d: {  	_ =	shalt  }
0x6e: {  	_ =	shalt  }
0x6f: {  	_ =	shalt  }
0x70: {  	_ =	shalt  }
0x71: {  	_ =	shalt  }
0x72: {  	_ =	shalt  }
0x73: {  	_ =	shalt  }
0x74: {  	_ =	shalt  }
0x75: {  	_ =	shalt  }
0x76: {  	_ =	shalt  }
0x77: {  	_ =	shalt  }
0x78: {  	_ =	shalt  }
0x79: {  	_ =	shalt  }
0x7a: {  	_ =	shalt  }
0x7b: {  	_ =	shalt  }
0x7c: {  	_ =	shalt  }
0x7d: {  	_ =	shalt  }
0x7e: {  	_ =	shalt  }
0x7f: {  	_ =	shalt  }
0x80: {  	_ =	shalt  }
0x81: {  	_ =	shalt  }
0x82: {  	_ =	shalt  }
0x83: {  	_ =	shalt  }
0x84: {  	_ =	shalt  }
0x85: {  	_ =	shalt  }
0x86: {  	_ =	shalt  }
0x87: {  	_ =	shalt  }
.Lfunc_end0:
.L_simem_size_0:
called_computation_lowered:
.L_overlay_start_0:
0x88: {  	s2 =	sld [smem:$0x3FD9]  }
0x89: {  	s3 =	sld [smem:$0x3FFE];
	_ =	sdelay $0x1  }
0x8a: {  	s1 =	srdreg.scid  }
0x8b: {  	s0 =	sand.u32 $0x1, s1  }
0x8c: {  	s18 =	sshll.u32 s0, $0xA;
	s2 =	sadd.s32 s3, s2  }
0x8d: {  	s2 =	sadd.s32 s2, s18  }
0x8e: {  	[smem:$0x3FC4] =	sst s2  }
0x8f: {  	_ = 	snop  }
0x90: {  	s2 =	sld [smem:$0x3FC9]  }
0x91: {  	s19 =	sld [smem:$0x3FC8]  }
0x92: {  	s4 =	sld [smem:$0x3FC7]  }
0x93: {  	s5 =	sld [smem:$0x3FC6]  }
0x94: {  	s6 =	sld [smem:$0x3FD0];
	(tm) =	ssettm $0x1  }
0x95: {  	s7 =	sld [smem:$0x3FFB];
	_ =	sdelay $0x3  }
0x96: {  	_ =	strace s7  }
0x97: {  	s7 =	sld [smem:$0x3FFC];
	_ =	sdelay $0x3  }
0x98: {  	_ =	strace s7  }
0x99: {  	s7 =	sld [smem:$0x3FFD];
	_ =	sdelay $0x3  }
0x9a: {  	_ =	strace s7  }
0x9b: {  	_ =	strace $0x8FFFFFFF  }
0x9c: {  	s20 =	sld [smem:$0x3FDB];
	_ =	sdelay $0x1  }
0x9d: {  	s8 =	simm.s32 $_scs_section_size  }
0x9e: {  	s9 =	simm.s32 $_size__tile_overlayer_lowered;
	s10 =	simm.s32 $_tile_overlayer_lowered  }
0x9f: {  	s23 =	simm.s32 $0x1BFF;
	s22 =	sshll.u32 s10, $0x1;
	s7 =	sadd.s32 s8, s20  }
0xa0: {  	s11 =	simm.s32 $0x0;
	s21 =	sshll.u32 s9, $0x1;
	s9 =	sadd.s32 s22, s7  }
0xa1: {  	[timem:s11], [sflag:s23] =	dma.local [hbm:s9], s21  }
0xa2: {  	_ =	swait.ge [sflag:s23], s21  }
0xa3: {  	s8 =	ssub.s32 $0x0, s21;
	[sflag:s23] =	ssyncset.done $0x0  }
0xa4: {  	[sflag:s23] =	ssyncadd.s32 s8;
	_ =	sdelay $0x1  }
0xa5: {  	s24 =	simm.s32 $0x1B8B  }
0xa6: {  	_ =	swait.ge [sflag:s24], $0x1  }
0xa7: {  	[sflag:s24] =	ssyncset.done $0x0  }
0xa8: {  	s25 =	simm.s32 $0x1B8E;
	[sflag:s24] =	ssyncadd.s32 $0xFFFFFFFF  }
0xa9: {  	s26 =	simm.s32 $execute0_lowered;
	[smem:$0x3FD2] =	sst s25  }
0xaa: {  	s8 =	sshll.u32 s26, $0x1;
	_ =	strace $0x80000046;
	[dreg:$0x1] =	wrdreg $0xFFFFFFFF  }
0xab: {  	s28 =	simm.s32 $_size_execute0_lowered;
	s7 =	sadd.s32 s7, s8;
	[dreg:$0x0] =	wrdreg $0x0  }
0xac: {  	s8 =	sshll.u32 s28, $0x1;
	[dreg:$0x2] =	wrdreg s7  }
0xad: {  	[dreg:$0x3] =	wrdreg s8  }
0xae: {  	[dreg:$0x4] =	wrdreg $0xC0  }
0xaf: {  	_ =	task [dreg:s11], $0x5FFFF  }
0xb0: {  	[dreg:$0x1] =	wrdreg $0xFFFFFFFF  }
0xb1: {  	[dreg:$0x0] =	wrdreg $0x60  }
0xb2: {  	[dreg:$0x2] =	wrdreg s2  }
0xb3: {  	[dreg:$0x3] =	wrdreg s19  }
0xb4: {  	[dreg:$0x4] =	wrdreg s4  }
0xb5: {  	[dreg:$0x5] =	wrdreg s5  }
0xb6: {  	[dreg:$0x6] =	wrdreg s6  }
0xb7: {  	[dreg:$0x7] =	wrdreg $0x9  }
0xb8: {  	_ =	task.clear_ibuf [dreg:s11], $0x8FFFF;
	_ =	strace $0x90000046  }
0xb9: {  	s29 =	simm.s32 $0x9;
	_ =	strace $0x80000048  }
0xba: {  	_ =	swait.ge [sflag:s29], $0x1  }
0xbb: {  	[sflag:s29] =	ssyncadd.s32 $0xFFFFFFFF  }
0xbc: {  	_ =	strace $0x90000048  }
0xbd: {  	_ =	sfence  }
0xbe: {  	s30 =	sld [smem:$0x0];
	_ =	sdelay $0x2  }
0xbf: {  	s31 =	sshll.u32 s1, $0xD;
	s1 =	sshrl.u32 s1, $0x2  }
0xc0: {  	s3 =	sand.u32 $0x4000, s31;
	s1 =	sadd.s32 s1, s30  }
0xc1: {  	s0 =	sor.u32 s3, s0;
	s1 =	sshll.u32 s1, $0x11  }
0xc2: {  	s0 =	sor.u32 s1, s0  }
0xc3: {  	s0 =	sadd.s32 $0x8F2B, s0  }
0xc4: {  	[sflag:s0] =	ssyncadd.remote.s32 $0x1  }
0xc5: {  	_ =	sfence.sel $0xFFFF  }
0xc6: {  	[dreg:$0x0] =	wrdreg $0xFFFFFFFF;
	(pc) =	sbr.abs _section_cstart, $3  }
0xc7: {  	[dreg:$0x1] =	wrdreg $0xFFFFFFFF  }
0xc8: {  	_ =	task.clear_ibuf [dreg:s11], $0x2FFFF;
	_ =	strace $0x9FFFFFFF  }
0xc9: {  	(tm) =	ssettm $0x7FFFFFFF  }
tec
execute0_lowered:
.L_overlay_start_1:
0x0: {  	(tag) =	ssettag $0x1  }
0x1: {  	s0 =	rddreg [dreg:$0x0]  }
0x2: {  	s2 =	rddreg [dreg:$0x1]  }
0x3: {  	s7 =	rddreg [dreg:$0x2]  }
0x4: {  	s8 =	rddreg [dreg:$0x3];
	s3 =	srdreg.scid  }
0x5: {  	s1 =	stileid.u32;
	s4 =	rddreg [dreg:$0x4];
	s11 =	simm.s32 $0x2780  }
0x6: {  	s12 =	simm.s32 $0x50;
	s13 =	simm.s32 $0x4F00;
	s14 =	simm.s32 $0x7700  }
0x7: {  	s15 =	simm.s32 $0x1;
	s16 =	simm.s32 $0x2;
	s17 =	simm.s32 $0x6  }
0x8: {  	s18 =	simm.s32 $0x3;
	s19 =	simm.s32 $0x4;
	s20 =	simm.s32 $0x9F00  }
0x9: {  	s21 =	simm.s32 $0x0;
	s6 =	sand.u32 $0x1, s3;
	s5 =	sshll.u32 s1, $0x1  }
.Ltmp0:
0xa: {  	s9 =	sor.u32 s6, s5;
	s5 =	simm.s32 $0x0;
	(pc) =	sbr.rel .LBB2_1-.Ltmp0, $4  }
0xb: {  	s10 =	ssub.s32 $0x2, s6;
	s6 =	smul.u32 $0x2710, s9;
	[smem:$0x7FF] =	sst s5  }
0xc: {  	s3 =	rddreg [dreg:$0x5];
	s30 =	sshrl.u32 s10, $0x1;
	_ =	strace $0x80000047  }
0xd: {  	s9 =	ssub.s32 s10, s30;
	s10 =	simm.s32 $0x5;
	s31 =	sshrl.u32 s6, $0x3  }
0xe: {  	s9 =	smax.u32 s9, $0x1;
	s7 =	sadd.s32 s7, s31;
	s8 =	sadd.s32 s8, s31  }
.LBB2_9:
0xf: {  	s21 =	sadd.s32 $0x1, s21  }
0x10: {  	p0 =	sne.s32 s21, s9  }
.Ltmp1:
0x11: {  	_ = 	snop;
	(pc) =	sbr.rel @!p0 .LBB2_10-.Ltmp1, $1  }
0x12: {  	_ =	sdelay $0x3  }
.LBB2_1:
0x13: {  	[tilespmem:s5], [sflag:$0x5] =	stream.linear.gather [hbm4b:s7+s5], $0x2710, $0x38;
	[tilespmem:$0xEF00] =	vst v63  }
0x14: {  	_ =	swait.ge [sflag:s10], $0x2710  }
0x15: {  	[sflag:s10] =	ssyncset.done $0x0  }
0x16: {  	[sflag:s10] =	ssyncadd.s32 $0xFFFFD8F0  }
0x17: {  	[tilespmem:s11], [sflag:$0x5] =	stream.linear.gather [hbm4b:s8+s5], $0x2710, $0x38;
	[tilespmem:$0xEF00] =	vst v63  }
0x18: {  	_ =	swait.ge [sflag:s10], $0x2710  }
.Ltmp2:
0x19: {  	[sflag:s10] =	ssyncset.done $0x0;
	(pc) =	sbr.rel .LBB2_2-.Ltmp2, $4  }
0x1a: {  	[sflag:s10] =	ssyncadd.s32 $0xFFFFD8F0  }
0x1b: {  	[tilespmem:s13], [sflag:$0x1] =	stream.indirect.gather [hbm4b:s0+s12], $0x80, s5, s12, $0xb8;
	[tilespmem:$0xEF00] =	vst v63  }
0x1c: {  	s22 =	simm.s32 $0x0  }
0x1d: {  	[tilespmem:s14], [sflag:$0x2] =	stream.indirect.gather [hbm4b:s2+s12], $0x80, s11, s12, $0xb8;
	[tilespmem:$0xEF00] =	vst v63  }
.LBB2_8:
0x1e: {  	s22 =	sadd.s32 $0x1, s22  }
0x1f: {  	p0 =	sne.s32 s22, $0x3F  }
.Ltmp3:
0x20: {  	_ = 	snop;
	(pc) =	sbr.rel @!p0 .LBB2_9-.Ltmp3, $1  }
0x21: {  	_ =	sdelay $0x3  }
.LBB2_2:
0x22: {  	s23 =	sshllo.u32 s22, $0x1  }
0x23: {  	p0 =	sgt.u32 s23, $0x7C  }
0x24: {  	s24 =	smul.u32 @!p0 $0x50, s23  }
0x25: {  	s25 =	simm.s32 @!p0 $0x50;
	s26 =	simm.s32 @!p0 $0x9F00  }
0x26: {  	[tilespmem:s26], [sflag:$0x3] =	stream.indirect.gather @!p0 [hbm4b:s0+s25], $0x80, s24, s25, $0xb8;
	[tilespmem:$0xEF00] =	vst v63  }
0x27: {  	s24 =	sadd.s32 @!p0 $0x2780, s24;
	s26 =	simm.s32 @!p0 $0xC700  }
0x28: {  	[tilespmem:s26], [sflag:$0x4] =	stream.indirect.gather @!p0 [hbm4b:s2+s25], $0x80, s24, s25, $0xb8;
	[tilespmem:$0xEF00] =	vst v63  }
0x29: {  	_ =	swait.ge [sflag:s15], $0x2800  }
0x2a: {  	[sflag:s15] =	ssyncset.done $0x0  }
0x2b: {  	[sflag:s15] =	ssyncadd.s32 $0xFFFFD800  }
0x2c: {  	_ =	swait.ge [sflag:s16], $0x2800  }
0x2d: {  	[sflag:s16] =	ssyncset.done $0x0  }
0x2e: {  	s24 =	simm.s32 $0x0;
	[sflag:s16] =	ssyncadd.s32 $0xFFFFD800  }
0x2f: {  	v6 =	vld [tilespmem:s24+$0x7700]  }
0x30: {  	v11 =	vld [tilespmem:s24+$0x7710]  }
0x31: {  	v5 =	vld [tilespmem:s24+$0x7720]  }
0x32: {  	v4 =	vld [tilespmem:s24+$0x7730]  }
0x33: {  	v3 =	vld [tilespmem:s24+$0x7740]  }
0x34: {  	v2 =	vld [tilespmem:s24+$0x7750]  }
0x35: {  	v1 =	vld [tilespmem:s24+$0x7760]  }
0x36: {  	v0 =	vld [tilespmem:s24+$0x7770]  }
0x37: {  	v12 =	vld [tilespmem:s24+$0x4F00]  }
0x38: {  	v13 =	vld [tilespmem:s24+$0x4F10]  }
0x39: {  	v10 =	vld [tilespmem:s24+$0x4F20]  }
0x3a: {  	v9 =	vld [tilespmem:s24+$0x4F30]  }
0x3b: {  	v8 =	vld [tilespmem:s24+$0x4F40]  }
0x3c: {  	v7 =	vld [tilespmem:s24+$0x4F50];
	v12 =	vadd.f32 v6, v12  }
0x3d: {  	s25 =	simm.s32 $0x200;
	v11 =	vadd.f32 v11, v13;
	v6 =	vld [tilespmem:s24+$0x4F60]  }
.LBB2_3:
0x3e: {  	s26 =	sshra.s32 s25, $0x2;
	p1 =	sne.s32 s25, $0x9E00;
	v12 =	vmax.f32 v12, $0.0e+00;
	v5 =	vadd.f32 v5, v10;
	v10 =	vld [tilespmem:s24+$0x4F70]  }
0x3f: {  	v13 =	vld [tilespmem:s26+$0x7700];
	[tilespmem:s24+$0x4F00] =	vst v12;
	v11 =	vmax.f32 v11, $0.0e+00;
	v4 =	vadd.f32 v4, v9  }
0x40: {  	v14 =	vld [tilespmem:s26+$0x7710];
	[tilespmem:s24+$0x4F10] =	vst v11;
	v9 =	vmax.f32 v5, $0.0e+00;
	v3 =	vadd.f32 v3, v8  }
0x41: {  	v5 =	vld [tilespmem:s26+$0x7720];
	[tilespmem:s24+$0x4F20] =	vst v9;
	v8 =	vmax.f32 v4, $0.0e+00;
	v2 =	vadd.f32 v2, v7  }
0x42: {  	v4 =	vld [tilespmem:s26+$0x7730];
	[tilespmem:s24+$0x4F30] =	vst v8;
	v7 =	vmax.f32 v3, $0.0e+00;
	v1 =	vadd.f32 v1, v6  }
0x43: {  	v3 =	vld [tilespmem:s26+$0x7740];
	[tilespmem:s24+$0x4F40] =	vst v7;
	v6 =	vmax.f32 v2, $0.0e+00;
	v0 =	vadd.f32 v0, v10  }
0x44: {  	v2 =	vld [tilespmem:s26+$0x7750];
	[tilespmem:s24+$0x4F50] =	vst v6;
	v6 =	vmax.f32 v1, $0.0e+00  }
0x45: {  	v1 =	vld [tilespmem:s26+$0x7760];
	[tilespmem:s24+$0x4F60] =	vst v6;
	v6 =	vmax.f32 v0, $0.0e+00  }
0x46: {  	v0 =	vld [tilespmem:s26+$0x7770];
	[tilespmem:s24+$0x4F70] =	vst v6;
	s24 =	smov.u32 s26  }
0x47: {  	v6 =	vld [tilespmem:s24+$0x4F00]  }
0x48: {  	v11 =	vld [tilespmem:s24+$0x4F10]  }
.Ltmp4:
0x49: {  	v10 =	vld [tilespmem:s24+$0x4F20];
	(pc) =	sbr.rel @p1 .LBB2_3-.Ltmp4, $4  }
0x4a: {  	v9 =	vld [tilespmem:s24+$0x4F30]  }
0x4b: {  	v8 =	vld [tilespmem:s24+$0x4F40]  }
0x4c: {  	v12 =	vadd.f32 v13, v6;
	v7 =	vld [tilespmem:s24+$0x4F50]  }
0x4d: {  	s25 =	sadd.s32 $0x200, s25;
	v11 =	vadd.f32 v14, v11;
	v6 =	vld [tilespmem:s24+$0x4F60]  }
0x4e: {  	v12 =	vmax.f32 v12, $0.0e+00;
	v5 =	vadd.f32 v5, v10;
	v63 =	vld [tilespmem:s24+$0x4F70]  }
0x4f: {  	[tilespmem:s24+$0x4F00] =	vst v12;
	v11 =	vmax.f32 v11, $0.0e+00;
	v4 =	vadd.f32 v4, v9  }
0x50: {  	[tilespmem:s24+$0x4F10] =	vst v11;
	v5 =	vmax.f32 v5, $0.0e+00;
	v3 =	vadd.f32 v3, v8  }
0x51: {  	[tilespmem:s24+$0x4F20] =	vst v5;
	v4 =	vmax.f32 v4, $0.0e+00;
	v2 =	vadd.f32 v2, v7  }
0x52: {  	s25 =	smul.u32 $0xA0, s22;
	[tilespmem:s24+$0x4F30] =	vst v4;
	v3 =	vmax.f32 v3, $0.0e+00;
	v1 =	vadd.f32 v1, v6  }
0x53: {  	[tilespmem:s24+$0x4F40] =	vst v3;
	v2 =	vmax.f32 v2, $0.0e+00;
	v0 =	vadd.f32 v0, v63  }
0x54: {  	s26 =	sadd.s32 s6, s25;
	[tilespmem:s24+$0x4F50] =	vst v2;
	v1 =	vmax.f32 v1, $0.0e+00  }
0x55: {  	s26 =	sshll.u32 s26, $0x4;
	[tilespmem:s24+$0x4F60] =	vst v1;
	v0 =	vmax.f32 v0, $0.0e+00  }
0x56: {  	s31 =	sadd.s32 s4, s26;
	[tilespmem:s24+$0x4F70] =	vst v0  }
0x57: {  	[hbm4b:s31+s5] =	stream.linear.scatter [tilespmem:s13], [sflag:$0x6], $0x2800, $0x38;
	[tilespmem:$0xEF00] =	vst v63  }
0x58: {  	p1 =	seq.s32 s22, $0x3E;
	_ =	swait.ge [sflag:s17], $0x2800  }
.Ltmp5:
0x59: {  	s28 =	simm.s32 @!p1 $0x4F00;
	[sflag:s17] =	ssyncset.done $0x0;
	(pc) =	sbr.rel @p0 .LBB2_8-.Ltmp5, $4  }
0x5a: {  	s26 =	simm.s32 @!p1 $0x50;
	s24 =	sadd.s32 @!p1 $0xA0, s25;
	[sflag:s17] =	ssyncadd.s32 $0xFFFFD800  }
0x5b: {  	[tilespmem:s28], [sflag:$0x1] =	stream.indirect.gather @!p1 [hbm4b:s0+s26], $0x80, s24, s26, $0xb8;
	[tilespmem:$0xEF00] =	vst v63  }
0x5c: {  	s24 =	sadd.s32 @!p1 $0x2820, s25;
	s25 =	simm.s32 @!p1 $0x7700  }
0x5d: {  	[tilespmem:s25], [sflag:$0x2] =	stream.indirect.gather @!p1 [hbm4b:s2+s26], $0x80, s24, s26, $0xb8;
	[tilespmem:$0xEF00] =	vst v63  }
0x5e: {  	_ =	swait.ge [sflag:s18], $0x2800  }
0x5f: {  	[sflag:s18] =	ssyncset.done $0x0  }
0x60: {  	[sflag:s18] =	ssyncadd.s32 $0xFFFFD800  }
0x61: {  	_ =	swait.ge [sflag:s19], $0x2800  }
0x62: {  	[sflag:s19] =	ssyncset.done $0x0  }
0x63: {  	s24 =	simm.s32 $0x0;
	[sflag:s19] =	ssyncadd.s32 $0xFFFFD800  }
0x64: {  	v6 =	vld [tilespmem:s24+$0xC700]  }
0x65: {  	v11 =	vld [tilespmem:s24+$0xC710]  }
0x66: {  	v5 =	vld [tilespmem:s24+$0xC720]  }
0x67: {  	v4 =	vld [tilespmem:s24+$0xC730]  }
0x68: {  	v3 =	vld [tilespmem:s24+$0xC740]  }
0x69: {  	v2 =	vld [tilespmem:s24+$0xC750]  }
0x6a: {  	v1 =	vld [tilespmem:s24+$0xC760]  }
0x6b: {  	v0 =	vld [tilespmem:s24+$0xC770]  }
0x6c: {  	v12 =	vld [tilespmem:s24+$0x9F00]  }
0x6d: {  	v13 =	vld [tilespmem:s24+$0x9F10]  }
0x6e: {  	v10 =	vld [tilespmem:s24+$0x9F20]  }
0x6f: {  	v9 =	vld [tilespmem:s24+$0x9F30]  }
0x70: {  	v8 =	vld [tilespmem:s24+$0x9F40]  }
0x71: {  	v7 =	vld [tilespmem:s24+$0x9F50];
	v12 =	vadd.f32 v6, v12  }
0x72: {  	s25 =	simm.s32 $0x200;
	v11 =	vadd.f32 v11, v13;
	v6 =	vld [tilespmem:s24+$0x9F60]  }
.LBB2_6:
0x73: {  	s26 =	sshra.s32 s25, $0x2;
	p0 =	sne.s32 s25, $0x9E00;
	v12 =	vmax.f32 v12, $0.0e+00;
	v5 =	vadd.f32 v5, v10;
	v10 =	vld [tilespmem:s24+$0x9F70]  }
0x74: {  	v13 =	vld [tilespmem:s26+$0xC700];
	[tilespmem:s24+$0x9F00] =	vst v12;
	v11 =	vmax.f32 v11, $0.0e+00;
	v4 =	vadd.f32 v4, v9  }
0x75: {  	v14 =	vld [tilespmem:s26+$0xC710];
	[tilespmem:s24+$0x9F10] =	vst v11;
	v9 =	vmax.f32 v5, $0.0e+00;
	v3 =	vadd.f32 v3, v8  }
0x76: {  	v5 =	vld [tilespmem:s26+$0xC720];
	[tilespmem:s24+$0x9F20] =	vst v9;
	v8 =	vmax.f32 v4, $0.0e+00;
	v2 =	vadd.f32 v2, v7  }
0x77: {  	v4 =	vld [tilespmem:s26+$0xC730];
	[tilespmem:s24+$0x9F30] =	vst v8;
	v7 =	vmax.f32 v3, $0.0e+00;
	v1 =	vadd.f32 v1, v6  }
0x78: {  	v3 =	vld [tilespmem:s26+$0xC740];
	[tilespmem:s24+$0x9F40] =	vst v7;
	v6 =	vmax.f32 v2, $0.0e+00;
	v0 =	vadd.f32 v0, v10  }
0x79: {  	v2 =	vld [tilespmem:s26+$0xC750];
	[tilespmem:s24+$0x9F50] =	vst v6;
	v6 =	vmax.f32 v1, $0.0e+00  }
0x7a: {  	v1 =	vld [tilespmem:s26+$0xC760];
	[tilespmem:s24+$0x9F60] =	vst v6;
	v6 =	vmax.f32 v0, $0.0e+00  }
0x7b: {  	v0 =	vld [tilespmem:s26+$0xC770];
	[tilespmem:s24+$0x9F70] =	vst v6;
	s24 =	smov.u32 s26  }
0x7c: {  	v6 =	vld [tilespmem:s24+$0x9F00]  }
0x7d: {  	v11 =	vld [tilespmem:s24+$0x9F10]  }
.Ltmp6:
0x7e: {  	v10 =	vld [tilespmem:s24+$0x9F20];
	(pc) =	sbr.rel @p0 .LBB2_6-.Ltmp6, $4  }
0x7f: {  	v9 =	vld [tilespmem:s24+$0x9F30]  }
0x80: {  	v8 =	vld [tilespmem:s24+$0x9F40]  }
0x81: {  	v12 =	vadd.f32 v13, v6;
	v7 =	vld [tilespmem:s24+$0x9F50]  }
0x82: {  	s25 =	sadd.s32 $0x200, s25;
	v11 =	vadd.f32 v14, v11;
	v6 =	vld [tilespmem:s24+$0x9F60]  }
0x83: {  	v12 =	vmax.f32 v12, $0.0e+00;
	v5 =	vadd.f32 v5, v10;
	v63 =	vld [tilespmem:s24+$0x9F70]  }
0x84: {  	[tilespmem:s24+$0x9F00] =	vst v12;
	v11 =	vmax.f32 v11, $0.0e+00;
	v4 =	vadd.f32 v4, v9  }
0x85: {  	[tilespmem:s24+$0x9F10] =	vst v11;
	v5 =	vmax.f32 v5, $0.0e+00;
	v3 =	vadd.f32 v3, v8  }
0x86: {  	[tilespmem:s24+$0x9F20] =	vst v5;
	v4 =	vmax.f32 v4, $0.0e+00;
	v2 =	vadd.f32 v2, v7  }
0x87: {  	s23 =	smul.u32 $0x50, s23;
	[tilespmem:s24+$0x9F30] =	vst v4;
	v3 =	vmax.f32 v3, $0.0e+00;
	v1 =	vadd.f32 v1, v6  }
0x88: {  	[tilespmem:s24+$0x9F40] =	vst v3;
	v2 =	vmax.f32 v2, $0.0e+00;
	v0 =	vadd.f32 v0, v63  }
0x89: {  	s23 =	sadd.s32 s6, s23;
	[tilespmem:s24+$0x9F50] =	vst v2;
	v1 =	vmax.f32 v1, $0.0e+00  }
0x8a: {  	s23 =	sshll.u32 s23, $0x4;
	[tilespmem:s24+$0x9F60] =	vst v1;
	v0 =	vmax.f32 v0, $0.0e+00  }
.Ltmp7:
0x8b: {  	s23 =	sadd.s32 s4, s23;
	[tilespmem:s24+$0x9F70] =	vst v0;
	(pc) =	sbr.rel .LBB2_8-.Ltmp7, $4  }
0x8c: {  	[hbm4b:s23+s5] =	stream.linear.scatter [tilespmem:s20], [sflag:$0x5], $0x2800, $0x38;
	[tilespmem:$0xEF00] =	vst v63  }
0x8d: {  	_ =	swait.ge [sflag:s10], $0x2800  }
0x8e: {  	[sflag:s10] =	ssyncset.done $0x0  }
0x8f: {  	[sflag:s10] =	ssyncadd.s32 $0xFFFFD800  }
.LBB2_10:
0x90: {  	_ =	sfence.sel $0x180000  }
0x91: {  	[bflag:$0x0] =	sbarrier.arrive $0xFFFF  }
0x92: {  	p0 =	sne.s32 s1, $0x0;
	_ =	strace $0x90000047  }
0x93: {  	s0 =	sadd.s32 @!p0 $0x100000, s3;
	[bflag:$0x2] =	sbarrier.arrive $0xFFFF  }
0x94: {  	[sflag:s0] =	ssyncadd.tile.s32 @!p0 $0x1;
	_ =	shalt  }
.Lfunc_end2:
_tile_overlayer_lowered:
.L_overlay_start_2:
0x95: {  	(tag) =	ssettag $0x2  }
0x96: {  	s0 =	rddreg [dreg:$0x0];
	s2 =	stileid.u32  }
0x97: {  	s1 =	rddreg [dreg:$0x1];
	p0 =	sne.s32 s2, $0x0  }
0x98: {  	s3 =	rddreg [dreg:$0x2];
	[bflag:$0x3] =	sbarrier.arrive $0xFFFF;
	s2 =	simm.s32 @!p0 $0x1C05  }
0x99: {  	[timem:s3], [sflag:s2] =	dma.local @!p0 [hbm:s0], s1  }
0x9a: {  	s0 =	simm.s32 @!p0 $0x5  }
0x9b: {  	_ =	swait.ge @!p0 [sflag:s0], s1  }
0x9c: {  	s1 =	ssub.s32 @!p0 $0x0, s1;
	[sflag:s0] =	ssyncset.done @!p0 $0x0  }
0x9d: {  	[sflag:s0] =	ssyncadd.s32 @!p0 s1  }
0x9e: {  	[bflag:$0x3] =	sbarrier.arrive $0xFFFF  }
0x9f: {  	_ =	shalt  }

</sc_bundles>
